<compile_context>
chip_gen: v7x
topology: tpu7x:2x2x1
jax: 0.10.2.dev20260603
libtpu: 0.0.44.dev20260713+nightly
codegen_flags: <defaults>
</compile_context>

<pallas_src>
import functools

import jax
import jax.numpy as jnp
from jax import lax
from jax.experimental import pallas as pl
from jax.experimental.pallas import tpu as pltpu
import jax.experimental.pallas.tpu_sc as plsc

Q = 1024
D = 16
K = 100000
NN = 9

CHUNK = 4096
NSTEPS = 25
KPAD = NSTEPS * CHUNK
LPC = 128
BSZ = CHUNK // LPC
NBLK = NSTEPS * LPC
NSEL = 12
NCAND = NSEL * BSZ

PADV = 1.0e8
BIGV = 3.0e30
BIGI = 1.0e9
IMAX = jnp.iinfo(jnp.int32).max


def _p1_kernel(q_ref, mt_ref, idx_ref, bp_ref):
    k = pl.program_id(0)
    q = q_ref[...]
    mt = mt_ref[...]
    r = jnp.dot(q, mt, preferred_element_type=jnp.float32)
    m2 = jnp.sum(mt * mt, axis=0, keepdims=True) * 0.25
    r = r + m2
    for w in (2048, 1024, 512, 256, 128):
        r = jnp.minimum(r[:, :w], r[:, w:])
    q2 = jnp.sum(q * q, axis=1, keepdims=True)
    d2min = jnp.maximum(r + q2, 1e-12)
    bits = lax.bitcast_convert_type(d2min, jnp.int32)
    bid = lax.broadcasted_iota(jnp.int32, (1, LPC), 1) + k * LPC
    bp_ref[:, pl.ds(k * LPC, LPC)] = (bits & jnp.int32(-4096)) | bid

    @pl.when(k == NSTEPS - 1)
    def _select():
        P = bp_ref[...]
        riota = lax.broadcasted_iota(jnp.int32, (1, BSZ), 1)
        for j in range(NSEL):
            mv = jnp.min(P, axis=1, keepdims=True)
            P = jnp.where(P == mv, IMAX, P)
            b = mv & 4095
            rows = b * BSZ + riota
            idx_ref[:, j * BSZ:(j + 1) * BSZ] = rows


def _phase1_select(queries, mt):
    return pl.pallas_call(
        _p1_kernel,
        grid=(NSTEPS,),
        in_specs=[
            pl.BlockSpec((Q, D), lambda k: (0, 0)),
            pl.BlockSpec((D, CHUNK), lambda k: (0, k)),
        ],
        out_specs=pl.BlockSpec((Q, NCAND), lambda k: (0, 0)),
        out_shape=jax.ShapeDtypeStruct((Q, NCAND), jnp.int32),
        scratch_shapes=[pltpu.VMEM((Q, NBLK), jnp.int32)],
        compiler_params=pltpu.CompilerParams(
            dimension_semantics=("arbitrary",),
        ),
    )(queries, mt)


BQ = 64


def _p3_kernel(q_ref, g_ref, idx_ref, sv_ref, si_ref):
    q = q_ref[...]
    g3 = g_ref[...]
    g2 = g3.reshape(D, BQ * NCAND)
    dots = jnp.dot(q, g2, preferred_element_type=jnp.float32)
    dot = jnp.concatenate(
        [dots[i:i + 1, i * NCAND:(i + 1) * NCAND] for i in range(BQ)], axis=0)
    m2 = jnp.zeros((BQ, NCAND), jnp.float32)
    for dd in range(D):
        gd = g3[dd]
        m2 = m2 + gd * gd
    q2 = jnp.sum(q * q, axis=1, keepdims=True)
    d2 = (q2 + m2) - 2.0 * dot
    idxf = idx_ref[...].astype(jnp.float32)
    vals, idxs = [], []
    for _ in range(NN):
        mv = jnp.min(d2, axis=1, keepdims=True)
        cand = jnp.where(d2 == mv, idxf, BIGI)
        mi = jnp.min(cand, axis=1, keepdims=True)
        vals.append(mv)
        idxs.append(mi)
        d2 = jnp.where(cand == mi, BIGV, d2)
    pad = jnp.full((BQ, 16 - NN), BIGV, jnp.float32)
    padi = jnp.full((BQ, 16 - NN), BIGI, jnp.float32)
    sv_ref[...] = jnp.sqrt(jnp.maximum(
        jnp.concatenate(vals + [pad], axis=1), 1e-12))
    si_ref[...] = jnp.concatenate(idxs + [padi], axis=1)


def _rescore(queries, gathered, idx):
    return pl.pallas_call(
        _p3_kernel,
        grid=(Q // BQ,),
        in_specs=[
            pl.BlockSpec((BQ, D), lambda i: (i, 0)),
            pl.BlockSpec((D, BQ, NCAND), lambda i: (0, i, 0)),
            pl.BlockSpec((BQ, NCAND), lambda i: (i, 0)),
        ],
        out_specs=[
            pl.BlockSpec((BQ, 16), lambda i: (i, 0)),
            pl.BlockSpec((BQ, 16), lambda i: (i, 0)),
        ],
        out_shape=[
            jax.ShapeDtypeStruct((Q, 16), jnp.float32),
            jax.ShapeDtypeStruct((Q, 16), jnp.float32),
        ],
        compiler_params=pltpu.CompilerParams(
            dimension_semantics=("arbitrary",),
        ),
    )(queries, gathered, idx)



VROWS = KPAD * D // 128
NVID = Q * NCAND // 8
NW = 32
BPWV = NVID // NW
VCH = 512
NVG = VCH // 128
NVOUT = BPWV // VCH


def _sc_gather_kernel(tab_ref, idx_ref, out_ref, idx_v, rows_v, sem):
    wid = lax.axis_index("s") * 2 + lax.axis_index("c")
    base = wid * BPWV
    pltpu.sync_copy(idx_ref.at[pl.ds(base, BPWV)], idx_v)
    for o in range(NVOUT):
        descs = [
            pltpu.async_copy(
                tab_ref.at[idx_v.at[pl.ds(o * VCH + g * 128, 128)]],
                rows_v.at[pl.ds(g * 128, 128)], sem)
            for g in range(NVG)
        ]
        for dsc in descs:
            dsc.wait()
        pltpu.sync_copy(rows_v, out_ref.at[pl.ds(base + o * VCH, VCH)])


@functools.cache
def _sc_gather():
    return pl.kernel(
        _sc_gather_kernel,
        out_type=jax.ShapeDtypeStruct((NVID, 128), jnp.float32),
        mesh=plsc.VectorSubcoreMesh(core_axis_name="c",
                                    subcore_axis_name="s"),
        scratch_types=[
            pltpu.VMEM((BPWV,), jnp.int32),
            pltpu.VMEM((VCH, 128), jnp.float32),
            pltpu.SemaphoreType.DMA,
        ],
    )


def kernel(queries, memory_bank):
    mt = jnp.pad(memory_bank.T * -2.0, ((0, 0), (0, KPAD - K)),
                 constant_values=-2.0 * PADV)
    mtp = (mt.reshape(D, NSTEPS, LPC, BSZ)
             .transpose(0, 1, 3, 2).reshape(D, KPAD))
    idx = _phase1_select(queries, mtp)
    mbv = jnp.pad(memory_bank.reshape(K * D // 128, 128),
                  ((0, VROWS - K * D // 128), (0, 0)),
                  constant_values=PADV)
    idxv = (idx[:, ::8] // 8).reshape(-1)
    gathered = _sc_gather()(mbv, idxv)
    gt = jnp.transpose(gathered.reshape(Q, NCAND, D), (2, 0, 1))
    sv, si = _rescore(queries, gt, idx)
    return sv[:, :NN], si[:, :NN].astype(jnp.int32)

# --- scband reference (transcript-rebuilt; emitter-appended) ---
"""Pipeline reference for scband-patch-core-51539607581 (READ-ONLY COPY).

The authoritative reference and input builder live on the scoring server;
editing this copy changes nothing except your own understanding.
"""

import jax, jax.numpy as jnp
import numpy as np

NUM_NEIGHBORS = 9


def setup_inputs(seed: int = 0) -> dict:
    key = jax.random.key(seed)
    kq, km = jax.random.split(key)
    queries = jax.random.normal(kq, (1024, 16), dtype=jnp.float32)
    memory_bank = jax.random.normal(km, (100000, 16), dtype=jnp.float32)
    return {"queries": queries, "memory_bank": memory_bank}


def _euclidean_cdist(x, y):
    # torch.cdist(x, y, p=2) equivalent via the expanded quadratic form
    x2 = jnp.sum(x * x, axis=1, keepdims=True)          # [Q, 1]
    y2 = jnp.sum(y * y, axis=1, keepdims=True).T        # [1, K]
    d2 = x2 + y2 - 2.0 * (x @ y.T)                      # [Q, K]
    return jnp.sqrt(jnp.maximum(d2, 1e-12))


def reference(queries, memory_bank):
    # PatchCore.nearest_neighbors: distances = cdist(embedding, memory_bank);
    # patch_scores, locations = distances.topk(k=n_neighbors, largest=False, dim=1)
    distances = _euclidean_cdist(queries, memory_bank)
    neg_scores, locations = jax.lax.top_k(-distances, NUM_NEIGHBORS)
    patch_scores = -neg_scores
    return patch_scores, locations

if __name__ == "__main__":
    import jax
    _d = setup_inputs()
    print(jax.jit(kernel)(*tuple(_d.values())))

</pallas_src>

<mosaic_0001>
#map = affine_map<(d0, d1) -> (0, 0)>
#map1 = affine_map<(d0, d1) -> (0)>
module attributes {stable_mosaic.version = 14 : i64} {
  func.func @_sc_gather_kernel(%arg0: i32, %arg1: i32, %arg2: memref<12800x128xf32, #tpu.memory_space<hbm>>, %arg3: memref<49152xi32, #tpu.memory_space<hbm>>, %arg4: memref<49152x128xf32, #tpu.memory_space<hbm>>, %arg5: memref<1536xi32, #tpu.memory_space<vmem>>, %arg6: memref<512x128xf32, #tpu.memory_space<vmem>>, %arg7: memref<!tpu.dma_semaphore, #tpu.memory_space<semaphore_mem>>) attributes {dimension_semantics = [#tpu.dimension_semantics<core_parallel>, #tpu.dimension_semantics<subcore_parallel>], iteration_bounds = array<i64: 2, 16>, scalar_prefetch = 0 : i64, scratch_operands = 3 : i64, tpu.core_type = #tpu.core_type<sc_vector_subcore>, window_params = [{transform_indices = #map}, {transform_indices = #map1}, {transform_indices = #map}]} {
    %mul3A = arith.constant 2 : i32
    %mul3A_0 = arith.muli %arg1, %mul3A : i32
    %add3A = arith.addi %mul3A_0, %arg0 : i32
    %mul3A_1 = arith.constant 1536 : i32
    %mul3A_2 = arith.muli %add3A, %mul3A_1 : i32
    "tpu.region"() ({
      %run_scoped3A = tpu.sem_alloc : memref<!tpu.dma_semaphore, #tpu.memory_space<semaphore_mem>>
      %dma_start3A_199 = tpu.memref_slice %arg3[%mul3A_2] : memref<49152xi32, #tpu.memory_space<hbm>> -> memref<1536xi32, #tpu.memory_space<hbm>>
      %dma_start3A_200 = tpu.memref_slice %arg3[%mul3A_2] : memref<49152xi32, #tpu.memory_space<hbm>> -> memref<1536xi32, #tpu.memory_space<hbm>>
      tpu.enqueue_dma source(%dma_start3A_200 : memref<1536xi32, #tpu.memory_space<hbm>>) target(%arg5 : memref<1536xi32, #tpu.memory_space<vmem>>) target_semaphore(%run_scoped3A : memref<!tpu.dma_semaphore, #tpu.memory_space<semaphore_mem>>)
      %dma_wait3A_201 = tpu.memref_slice %arg3[%mul3A_2] : memref<49152xi32, #tpu.memory_space<hbm>> -> memref<1536xi32, #tpu.memory_space<hbm>>
      %dma_wait3A_202 = tpu.memref_slice %arg3[%mul3A_2] : memref<49152xi32, #tpu.memory_space<hbm>> -> memref<1536xi32, #tpu.memory_space<hbm>>
      tpu.wait_dma2 semaphore(%run_scoped3A : memref<!tpu.dma_semaphore, #tpu.memory_space<semaphore_mem>>) src(%dma_wait3A_202 : memref<1536xi32, #tpu.memory_space<hbm>>) dst(%arg5 : memref<1536xi32, #tpu.memory_space<vmem>>)
      tpu.yield
    }) : () -> ()
    %dma_start3A = arith.constant 0 : i32
    %dma_start3A_3 = arith.constant 0 : i32
    %dma_start3A_4 = tpu.memref_slice %arg6[%dma_start3A, %dma_start3A_3] : memref<512x128xf32, #tpu.memory_space<vmem>> -> memref<128x128xf32, #tpu.memory_space<vmem>>
    %dma_start3A_5 = arith.constant 0 : i32
    %dma_start3A_6 = tpu.memref_slice %arg5[%dma_start3A_5] : memref<1536xi32, #tpu.memory_space<vmem>> -> memref<128xi32, #tpu.memory_space<vmem>>
    %dma_start3A_7 = arith.constant 0 : i32
    %dma_start3A_8 = arith.constant 0 : i32
    %dma_start3A_9 = tpu.memref_slice %arg2[%dma_start3A_7, %dma_start3A_8] : memref<12800x128xf32, #tpu.memory_space<hbm>> -> memref<12800x128xf32, #tpu.memory_space<hbm>>
    tpu.enqueue_indirect_dma source(%dma_start3A_9 : memref<12800x128xf32, #tpu.memory_space<hbm>>) target(%dma_start3A_4 : memref<128x128xf32, #tpu.memory_space<vmem>>) offsets(%dma_start3A_6 : memref<128xi32, #tpu.memory_space<vmem>>) semaphore(%arg7 : memref<!tpu.dma_semaphore, #tpu.memory_space<semaphore_mem>>)
    %dma_start3A_10 = arith.constant 128 : i32
    %dma_start3A_11 = arith.constant 0 : i32
    %dma_start3A_12 = tpu.memref_slice %arg6[%dma_start3A_10, %dma_start3A_11] : memref<512x128xf32, #tpu.memory_space<vmem>> -> memref<128x128xf32, #tpu.memory_space<vmem>>
    %dma_start3A_13 = arith.constant 128 : i32
    %dma_start3A_14 = tpu.memref_slice %arg5[%dma_start3A_13] : memref<1536xi32, #tpu.memory_space<vmem>> -> memref<128xi32, #tpu.memory_space<vmem>>
    %dma_start3A_15 = arith.constant 0 : i32
    %dma_start3A_16 = arith.constant 0 : i32
    %dma_start3A_17 = tpu.memref_slice %arg2[%dma_start3A_15, %dma_start3A_16] : memref<12800x128xf32, #tpu.memory_space<hbm>> -> memref<12800x128xf32, #tpu.memory_space<hbm>>
    tpu.enqueue_indirect_dma source(%dma_start3A_17 : memref<12800x128xf32, #tpu.memory_space<hbm>>) target(%dma_start3A_12 : memref<128x128xf32, #tpu.memory_space<vmem>>) offsets(%dma_start3A_14 : memref<128xi32, #tpu.memory_space<vmem>>) semaphore(%arg7 : memref<!tpu.dma_semaphore, #tpu.memory_space<semaphore_mem>>)
    %dma_start3A_18 = arith.constant 256 : i32
    %dma_start3A_19 = arith.constant 0 : i32
    %dma_start3A_20 = tpu.memref_slice %arg6[%dma_start3A_18, %dma_start3A_19] : memref<512x128xf32, #tpu.memory_space<vmem>> -> memref<128x128xf32, #tpu.memory_space<vmem>>
    %dma_start3A_21 = arith.constant 256 : i32
    %dma_start3A_22 = tpu.memref_slice %arg5[%dma_start3A_21] : memref<1536xi32, #tpu.memory_space<vmem>> -> memref<128xi32, #tpu.memory_space<vmem>>
    %dma_start3A_23 = arith.constant 0 : i32
    %dma_start3A_24 = arith.constant 0 : i32
    %dma_start3A_25 = tpu.memref_slice %arg2[%dma_start3A_23, %dma_start3A_24] : memref<12800x128xf32, #tpu.memory_space<hbm>> -> memref<12800x128xf32, #tpu.memory_space<hbm>>
    tpu.enqueue_indirect_dma source(%dma_start3A_25 : memref<12800x128xf32, #tpu.memory_space<hbm>>) target(%dma_start3A_20 : memref<128x128xf32, #tpu.memory_space<vmem>>) offsets(%dma_start3A_22 : memref<128xi32, #tpu.memory_space<vmem>>) semaphore(%arg7 : memref<!tpu.dma_semaphore, #tpu.memory_space<semaphore_mem>>)
    %dma_start3A_26 = arith.constant 384 : i32
    %dma_start3A_27 = arith.constant 0 : i32
    %dma_start3A_28 = tpu.memref_slice %arg6[%dma_start3A_26, %dma_start3A_27] : memref<512x128xf32, #tpu.memory_space<vmem>> -> memref<128x128xf32, #tpu.memory_space<vmem>>
    %dma_start3A_29 = arith.constant 384 : i32
    %dma_start3A_30 = tpu.memref_slice %arg5[%dma_start3A_29] : memref<1536xi32, #tpu.memory_space<vmem>> -> memref<128xi32, #tpu.memory_space<vmem>>
    %dma_start3A_31 = arith.constant 0 : i32
    %dma_start3A_32 = arith.constant 0 : i32
    %dma_start3A_33 = tpu.memref_slice %arg2[%dma_start3A_31, %dma_start3A_32] : memref<12800x128xf32, #tpu.memory_space<hbm>> -> memref<12800x128xf32, #tpu.memory_space<hbm>>
    tpu.enqueue_indirect_dma source(%dma_start3A_33 : memref<12800x128xf32, #tpu.memory_space<hbm>>) target(%dma_start3A_28 : memref<128x128xf32, #tpu.memory_space<vmem>>) offsets(%dma_start3A_30 : memref<128xi32, #tpu.memory_space<vmem>>) semaphore(%arg7 : memref<!tpu.dma_semaphore, #tpu.memory_space<semaphore_mem>>)
    %dma_wait3A = arith.constant 0 : i32
    %dma_wait3A_34 = arith.constant 0 : i32
    %dma_wait3A_35 = tpu.memref_slice %arg6[%dma_wait3A, %dma_wait3A_34] : memref<512x128xf32, #tpu.memory_space<vmem>> -> memref<128x128xf32, #tpu.memory_space<vmem>>
    %dma_wait3A_36 = arith.constant 0 : i32
    %dma_wait3A_37 = tpu.memref_slice %arg5[%dma_wait3A_36] : memref<1536xi32, #tpu.memory_space<vmem>> -> memref<128xi32, #tpu.memory_space<vmem>>
    %dma_wait3A_38 = arith.constant 0 : i32
    %dma_wait3A_39 = arith.constant 0 : i32
    %dma_wait3A_40 = tpu.memref_slice %arg2[%dma_wait3A_38, %dma_wait3A_39] : memref<12800x128xf32, #tpu.memory_space<hbm>> -> memref<12800x128xf32, #tpu.memory_space<hbm>>
    tpu.wait_indirect_dma semaphore(%arg7 : memref<!tpu.dma_semaphore, #tpu.memory_space<semaphore_mem>>) src(%dma_wait3A_40 : memref<12800x128xf32, #tpu.memory_space<hbm>>) dst(%dma_wait3A_35 : memref<128x128xf32, #tpu.memory_space<vmem>>)
    %dma_wait3A_41 = arith.constant 128 : i32
    %dma_wait3A_42 = arith.constant 0 : i32
    %dma_wait3A_43 = tpu.memref_slice %arg6[%dma_wait3A_41, %dma_wait3A_42] : memref<512x128xf32, #tpu.memory_space<vmem>> -> memref<128x128xf32, #tpu.memory_space<vmem>>
    %dma_wait3A_44 = arith.constant 128 : i32
    %dma_wait3A_45 = tpu.memref_slice %arg5[%dma_wait3A_44] : memref<1536xi32, #tpu.memory_space<vmem>> -> memref<128xi32, #tpu.memory_space<vmem>>
    %dma_wait3A_46 = arith.constant 0 : i32
    %dma_wait3A_47 = arith.constant 0 : i32
    %dma_wait3A_48 = tpu.memref_slice %arg2[%dma_wait3A_46, %dma_wait3A_47] : memref<12800x128xf32, #tpu.memory_space<hbm>> -> memref<12800x128xf32, #tpu.memory_space<hbm>>
    tpu.wait_indirect_dma semaphore(%arg7 : memref<!tpu.dma_semaphore, #tpu.memory_space<semaphore_mem>>) src(%dma_wait3A_48 : memref<12800x128xf32, #tpu.memory_space<hbm>>) dst(%dma_wait3A_43 : memref<128x128xf32, #tpu.memory_space<vmem>>)
    %dma_wait3A_49 = arith.constant 256 : i32
    %dma_wait3A_50 = arith.constant 0 : i32
    %dma_wait3A_51 = tpu.memref_slice %arg6[%dma_wait3A_49, %dma_wait3A_50] : memref<512x128xf32, #tpu.memory_space<vmem>> -> memref<128x128xf32, #tpu.memory_space<vmem>>
    %dma_wait3A_52 = arith.constant 256 : i32
    %dma_wait3A_53 = tpu.memref_slice %arg5[%dma_wait3A_52] : memref<1536xi32, #tpu.memory_space<vmem>> -> memref<128xi32, #tpu.memory_space<vmem>>
    %dma_wait3A_54 = arith.constant 0 : i32
    %dma_wait3A_55 = arith.constant 0 : i32
    %dma_wait3A_56 = tpu.memref_slice %arg2[%dma_wait3A_54, %dma_wait3A_55] : memref<12800x128xf32, #tpu.memory_space<hbm>> -> memref<12800x128xf32, #tpu.memory_space<hbm>>
    tpu.wait_indirect_dma semaphore(%arg7 : memref<!tpu.dma_semaphore, #tpu.memory_space<semaphore_mem>>) src(%dma_wait3A_56 : memref<12800x128xf32, #tpu.memory_space<hbm>>) dst(%dma_wait3A_51 : memref<128x128xf32, #tpu.memory_space<vmem>>)
    %dma_wait3A_57 = arith.constant 384 : i32
    %dma_wait3A_58 = arith.constant 0 : i32
    %dma_wait3A_59 = tpu.memref_slice %arg6[%dma_wait3A_57, %dma_wait3A_58] : memref<512x128xf32, #tpu.memory_space<vmem>> -> memref<128x128xf32, #tpu.memory_space<vmem>>
    %dma_wait3A_60 = arith.constant 384 : i32
    %dma_wait3A_61 = tpu.memref_slice %arg5[%dma_wait3A_60] : memref<1536xi32, #tpu.memory_space<vmem>> -> memref<128xi32, #tpu.memory_space<vmem>>
    %dma_wait3A_62 = arith.constant 0 : i32
    %dma_wait3A_63 = arith.constant 0 : i32
    %dma_wait3A_64 = tpu.memref_slice %arg2[%dma_wait3A_62, %dma_wait3A_63] : memref<12800x128xf32, #tpu.memory_space<hbm>> -> memref<12800x128xf32, #tpu.memory_space<hbm>>
    tpu.wait_indirect_dma semaphore(%arg7 : memref<!tpu.dma_semaphore, #tpu.memory_space<semaphore_mem>>) src(%dma_wait3A_64 : memref<12800x128xf32, #tpu.memory_space<hbm>>) dst(%dma_wait3A_59 : memref<128x128xf32, #tpu.memory_space<vmem>>)
    %add3A_65 = arith.constant 0 : i32
    %add3A_66 = arith.addi %mul3A_2, %add3A_65 : i32
    "tpu.region"() ({
      %run_scoped3A = tpu.sem_alloc : memref<!tpu.dma_semaphore, #tpu.memory_space<semaphore_mem>>
      %dma_start3A_199 = arith.constant 0 : i32
      %dma_start3A_200 = tpu.memref_slice %arg4[%add3A_66, %dma_start3A_199] : memref<49152x128xf32, #tpu.memory_space<hbm>> -> memref<512x128xf32, #tpu.memory_space<hbm>>
      %dma_start3A_201 = arith.constant 0 : i32
      %dma_start3A_202 = tpu.memref_slice %arg4[%add3A_66, %dma_start3A_201] : memref<49152x128xf32, #tpu.memory_space<hbm>> -> memref<512x128xf32, #tpu.memory_space<hbm>>
      tpu.enqueue_dma source(%arg6 : memref<512x128xf32, #tpu.memory_space<vmem>>) target(%dma_start3A_202 : memref<512x128xf32, #tpu.memory_space<hbm>>) target_semaphore(%run_scoped3A : memref<!tpu.dma_semaphore, #tpu.memory_space<semaphore_mem>>)
      %dma_wait3A_203 = arith.constant 0 : i32
      %dma_wait3A_204 = tpu.memref_slice %arg4[%add3A_66, %dma_wait3A_203] : memref<49152x128xf32, #tpu.memory_space<hbm>> -> memref<512x128xf32, #tpu.memory_space<hbm>>
      %dma_wait3A_205 = arith.constant 0 : i32
      %dma_wait3A_206 = tpu.memref_slice %arg4[%add3A_66, %dma_wait3A_205] : memref<49152x128xf32, #tpu.memory_space<hbm>> -> memref<512x128xf32, #tpu.memory_space<hbm>>
      tpu.wait_dma2 semaphore(%run_scoped3A : memref<!tpu.dma_semaphore, #tpu.memory_space<semaphore_mem>>) src(%arg6 : memref<512x128xf32, #tpu.memory_space<vmem>>) dst(%dma_wait3A_206 : memref<512x128xf32, #tpu.memory_space<hbm>>)
      tpu.yield
    }) : () -> ()
    %dma_start3A_67 = arith.constant 0 : i32
    %dma_start3A_68 = arith.constant 0 : i32
    %dma_start3A_69 = tpu.memref_slice %arg6[%dma_start3A_67, %dma_start3A_68] : memref<512x128xf32, #tpu.memory_space<vmem>> -> memref<128x128xf32, #tpu.memory_space<vmem>>
    %dma_start3A_70 = arith.constant 512 : i32
    %dma_start3A_71 = tpu.memref_slice %arg5[%dma_start3A_70] : memref<1536xi32, #tpu.memory_space<vmem>> -> memref<128xi32, #tpu.memory_space<vmem>>
    %dma_start3A_72 = arith.constant 0 : i32
    %dma_start3A_73 = arith.constant 0 : i32
    %dma_start3A_74 = tpu.memref_slice %arg2[%dma_start3A_72, %dma_start3A_73] : memref<12800x128xf32, #tpu.memory_space<hbm>> -> memref<12800x128xf32, #tpu.memory_space<hbm>>
    tpu.enqueue_indirect_dma source(%dma_start3A_74 : memref<12800x128xf32, #tpu.memory_space<hbm>>) target(%dma_start3A_69 : memref<128x128xf32, #tpu.memory_space<vmem>>) offsets(%dma_start3A_71 : memref<128xi32, #tpu.memory_space<vmem>>) semaphore(%arg7 : memref<!tpu.dma_semaphore, #tpu.memory_space<semaphore_mem>>)
    %dma_start3A_75 = arith.constant 128 : i32
    %dma_start3A_76 = arith.constant 0 : i32
    %dma_start3A_77 = tpu.memref_slice %arg6[%dma_start3A_75, %dma_start3A_76] : memref<512x128xf32, #tpu.memory_space<vmem>> -> memref<128x128xf32, #tpu.memory_space<vmem>>
    %dma_start3A_78 = arith.constant 640 : i32
    %dma_start3A_79 = tpu.memref_slice %arg5[%dma_start3A_78] : memref<1536xi32, #tpu.memory_space<vmem>> -> memref<128xi32, #tpu.memory_space<vmem>>
    %dma_start3A_80 = arith.constant 0 : i32
    %dma_start3A_81 = arith.constant 0 : i32
    %dma_start3A_82 = tpu.memref_slice %arg2[%dma_start3A_80, %dma_start3A_81] : memref<12800x128xf32, #tpu.memory_space<hbm>> -> memref<12800x128xf32, #tpu.memory_space<hbm>>
    tpu.enqueue_indirect_dma source(%dma_start3A_82 : memref<12800x128xf32, #tpu.memory_space<hbm>>) target(%dma_start3A_77 : memref<128x128xf32, #tpu.memory_space<vmem>>) offsets(%dma_start3A_79 : memref<128xi32, #tpu.memory_space<vmem>>) semaphore(%arg7 : memref<!tpu.dma_semaphore, #tpu.memory_space<semaphore_mem>>)
    %dma_start3A_83 = arith.constant 256 : i32
    %dma_start3A_84 = arith.constant 0 : i32
    %dma_start3A_85 = tpu.memref_slice %arg6[%dma_start3A_83, %dma_start3A_84] : memref<512x128xf32, #tpu.memory_space<vmem>> -> memref<128x128xf32, #tpu.memory_space<vmem>>
    %dma_start3A_86 = arith.constant 768 : i32
    %dma_start3A_87 = tpu.memref_slice %arg5[%dma_start3A_86] : memref<1536xi32, #tpu.memory_space<vmem>> -> memref<128xi32, #tpu.memory_space<vmem>>
    %dma_start3A_88 = arith.constant 0 : i32
    %dma_start3A_89 = arith.constant 0 : i32
    %dma_start3A_90 = tpu.memref_slice %arg2[%dma_start3A_88, %dma_start3A_89] : memref<12800x128xf32, #tpu.memory_space<hbm>> -> memref<12800x128xf32, #tpu.memory_space<hbm>>
    tpu.enqueue_indirect_dma source(%dma_start3A_90 : memref<12800x128xf32, #tpu.memory_space<hbm>>) target(%dma_start3A_85 : memref<128x128xf32, #tpu.memory_space<vmem>>) offsets(%dma_start3A_87 : memref<128xi32, #tpu.memory_space<vmem>>) semaphore(%arg7 : memref<!tpu.dma_semaphore, #tpu.memory_space<semaphore_mem>>)
    %dma_start3A_91 = arith.constant 384 : i32
    %dma_start3A_92 = arith.constant 0 : i32
    %dma_start3A_93 = tpu.memref_slice %arg6[%dma_start3A_91, %dma_start3A_92] : memref<512x128xf32, #tpu.memory_space<vmem>> -> memref<128x128xf32, #tpu.memory_space<vmem>>
    %dma_start3A_94 = arith.constant 896 : i32
    %dma_start3A_95 = tpu.memref_slice %arg5[%dma_start3A_94] : memref<1536xi32, #tpu.memory_space<vmem>> -> memref<128xi32, #tpu.memory_space<vmem>>
    %dma_start3A_96 = arith.constant 0 : i32
    %dma_start3A_97 = arith.constant 0 : i32
    %dma_start3A_98 = tpu.memref_slice %arg2[%dma_start3A_96, %dma_start3A_97] : memref<12800x128xf32, #tpu.memory_space<hbm>> -> memref<12800x128xf32, #tpu.memory_space<hbm>>
    tpu.enqueue_indirect_dma source(%dma_start3A_98 : memref<12800x128xf32, #tpu.memory_space<hbm>>) target(%dma_start3A_93 : memref<128x128xf32, #tpu.memory_space<vmem>>) offsets(%dma_start3A_95 : memref<128xi32, #tpu.memory_space<vmem>>) semaphore(%arg7 : memref<!tpu.dma_semaphore, #tpu.memory_space<semaphore_mem>>)
    %dma_wait3A_99 = arith.constant 0 : i32
    %dma_wait3A_100 = arith.constant 0 : i32
    %dma_wait3A_101 = tpu.memref_slice %arg6[%dma_wait3A_99, %dma_wait3A_100] : memref<512x128xf32, #tpu.memory_space<vmem>> -> memref<128x128xf32, #tpu.memory_space<vmem>>
    %dma_wait3A_102 = arith.constant 512 : i32
    %dma_wait3A_103 = tpu.memref_slice %arg5[%dma_wait3A_102] : memref<1536xi32, #tpu.memory_space<vmem>> -> memref<128xi32, #tpu.memory_space<vmem>>
    %dma_wait3A_104 = arith.constant 0 : i32
    %dma_wait3A_105 = arith.constant 0 : i32
    %dma_wait3A_106 = tpu.memref_slice %arg2[%dma_wait3A_104, %dma_wait3A_105] : memref<12800x128xf32, #tpu.memory_space<hbm>> -> memref<12800x128xf32, #tpu.memory_space<hbm>>
    tpu.wait_indirect_dma semaphore(%arg7 : memref<!tpu.dma_semaphore, #tpu.memory_space<semaphore_mem>>) src(%dma_wait3A_106 : memref<12800x128xf32, #tpu.memory_space<hbm>>) dst(%dma_wait3A_101 : memref<128x128xf32, #tpu.memory_space<vmem>>)
    %dma_wait3A_107 = arith.constant 128 : i32
    %dma_wait3A_108 = arith.constant 0 : i32
    %dma_wait3A_109 = tpu.memref_slice %arg6[%dma_wait3A_107, %dma_wait3A_108] : memref<512x128xf32, #tpu.memory_space<vmem>> -> memref<128x128xf32, #tpu.memory_space<vmem>>
    %dma_wait3A_110 = arith.constant 640 : i32
    %dma_wait3A_111 = tpu.memref_slice %arg5[%dma_wait3A_110] : memref<1536xi32, #tpu.memory_space<vmem>> -> memref<128xi32, #tpu.memory_space<vmem>>
    %dma_wait3A_112 = arith.constant 0 : i32
    %dma_wait3A_113 = arith.constant 0 : i32
    %dma_wait3A_114 = tpu.memref_slice %arg2[%dma_wait3A_112, %dma_wait3A_113] : memref<12800x128xf32, #tpu.memory_space<hbm>> -> memref<12800x128xf32, #tpu.memory_space<hbm>>
    tpu.wait_indirect_dma semaphore(%arg7 : memref<!tpu.dma_semaphore, #tpu.memory_space<semaphore_mem>>) src(%dma_wait3A_114 : memref<12800x128xf32, #tpu.memory_space<hbm>>) dst(%dma_wait3A_109 : memref<128x128xf32, #tpu.memory_space<vmem>>)
    %dma_wait3A_115 = arith.constant 256 : i32
    %dma_wait3A_116 = arith.constant 0 : i32
    %dma_wait3A_117 = tpu.memref_slice %arg6[%dma_wait3A_115, %dma_wait3A_116] : memref<512x128xf32, #tpu.memory_space<vmem>> -> memref<128x128xf32, #tpu.memory_space<vmem>>
    %dma_wait3A_118 = arith.constant 768 : i32
    %dma_wait3A_119 = tpu.memref_slice %arg5[%dma_wait3A_118] : memref<1536xi32, #tpu.memory_space<vmem>> -> memref<128xi32, #tpu.memory_space<vmem>>
    %dma_wait3A_120 = arith.constant 0 : i32
    %dma_wait3A_121 = arith.constant 0 : i32
    %dma_wait3A_122 = tpu.memref_slice %arg2[%dma_wait3A_120, %dma_wait3A_121] : memref<12800x128xf32, #tpu.memory_space<hbm>> -> memref<12800x128xf32, #tpu.memory_space<hbm>>
    tpu.wait_indirect_dma semaphore(%arg7 : memref<!tpu.dma_semaphore, #tpu.memory_space<semaphore_mem>>) src(%dma_wait3A_122 : memref<12800x128xf32, #tpu.memory_space<hbm>>) dst(%dma_wait3A_117 : memref<128x128xf32, #tpu.memory_space<vmem>>)
    %dma_wait3A_123 = arith.constant 384 : i32
    %dma_wait3A_124 = arith.constant 0 : i32
    %dma_wait3A_125 = tpu.memref_slice %arg6[%dma_wait3A_123, %dma_wait3A_124] : memref<512x128xf32, #tpu.memory_space<vmem>> -> memref<128x128xf32, #tpu.memory_space<vmem>>
    %dma_wait3A_126 = arith.constant 896 : i32
    %dma_wait3A_127 = tpu.memref_slice %arg5[%dma_wait3A_126] : memref<1536xi32, #tpu.memory_space<vmem>> -> memref<128xi32, #tpu.memory_space<vmem>>
    %dma_wait3A_128 = arith.constant 0 : i32
    %dma_wait3A_129 = arith.constant 0 : i32
    %dma_wait3A_130 = tpu.memref_slice %arg2[%dma_wait3A_128, %dma_wait3A_129] : memref<12800x128xf32, #tpu.memory_space<hbm>> -> memref<12800x128xf32, #tpu.memory_space<hbm>>
    tpu.wait_indirect_dma semaphore(%arg7 : memref<!tpu.dma_semaphore, #tpu.memory_space<semaphore_mem>>) src(%dma_wait3A_130 : memref<12800x128xf32, #tpu.memory_space<hbm>>) dst(%dma_wait3A_125 : memref<128x128xf32, #tpu.memory_space<vmem>>)
    %add3A_131 = arith.constant 512 : i32
    %add3A_132 = arith.addi %mul3A_2, %add3A_131 : i32
    "tpu.region"() ({
      %run_scoped3A = tpu.sem_alloc : memref<!tpu.dma_semaphore, #tpu.memory_space<semaphore_mem>>
      %dma_start3A_199 = arith.constant 0 : i32
      %dma_start3A_200 = tpu.memref_slice %arg4[%add3A_132, %dma_start3A_199] : memref<49152x128xf32, #tpu.memory_space<hbm>> -> memref<512x128xf32, #tpu.memory_space<hbm>>
      %dma_start3A_201 = arith.constant 0 : i32
      %dma_start3A_202 = tpu.memref_slice %arg4[%add3A_132, %dma_start3A_201] : memref<49152x128xf32, #tpu.memory_space<hbm>> -> memref<512x128xf32, #tpu.memory_space<hbm>>
      tpu.enqueue_dma source(%arg6 : memref<512x128xf32, #tpu.memory_space<vmem>>) target(%dma_start3A_202 : memref<512x128xf32, #tpu.memory_space<hbm>>) target_semaphore(%run_scoped3A : memref<!tpu.dma_semaphore, #tpu.memory_space<semaphore_mem>>)
      %dma_wait3A_203 = arith.constant 0 : i32
      %dma_wait3A_204 = tpu.memref_slice %arg4[%add3A_132, %dma_wait3A_203] : memref<49152x128xf32, #tpu.memory_space<hbm>> -> memref<512x128xf32, #tpu.memory_space<hbm>>
      %dma_wait3A_205 = arith.constant 0 : i32
      %dma_wait3A_206 = tpu.memref_slice %arg4[%add3A_132, %dma_wait3A_205] : memref<49152x128xf32, #tpu.memory_space<hbm>> -> memref<512x128xf32, #tpu.memory_space<hbm>>
      tpu.wait_dma2 semaphore(%run_scoped3A : memref<!tpu.dma_semaphore, #tpu.memory_space<semaphore_mem>>) src(%arg6 : memref<512x128xf32, #tpu.memory_space<vmem>>) dst(%dma_wait3A_206 : memref<512x128xf32, #tpu.memory_space<hbm>>)
      tpu.yield
    }) : () -> ()
    %dma_start3A_133 = arith.constant 0 : i32
    %dma_start3A_134 = arith.constant 0 : i32
    %dma_start3A_135 = tpu.memref_slice %arg6[%dma_start3A_133, %dma_start3A_134] : memref<512x128xf32, #tpu.memory_space<vmem>> -> memref<128x128xf32, #tpu.memory_space<vmem>>
    %dma_start3A_136 = arith.constant 1024 : i32
    %dma_start3A_137 = tpu.memref_slice %arg5[%dma_start3A_136] : memref<1536xi32, #tpu.memory_space<vmem>> -> memref<128xi32, #tpu.memory_space<vmem>>
    %dma_start3A_138 = arith.constant 0 : i32
    %dma_start3A_139 = arith.constant 0 : i32
    %dma_start3A_140 = tpu.memref_slice %arg2[%dma_start3A_138, %dma_start3A_139] : memref<12800x128xf32, #tpu.memory_space<hbm>> -> memref<12800x128xf32, #tpu.memory_space<hbm>>
    tpu.enqueue_indirect_dma source(%dma_start3A_140 : memref<12800x128xf32, #tpu.memory_space<hbm>>) target(%dma_start3A_135 : memref<128x128xf32, #tpu.memory_space<vmem>>) offsets(%dma_start3A_137 : memref<128xi32, #tpu.memory_space<vmem>>) semaphore(%arg7 : memref<!tpu.dma_semaphore, #tpu.memory_space<semaphore_mem>>)
    %dma_start3A_141 = arith.constant 128 : i32
    %dma_start3A_142 = arith.constant 0 : i32
    %dma_start3A_143 = tpu.memref_slice %arg6[%dma_start3A_141, %dma_start3A_142] : memref<512x128xf32, #tpu.memory_space<vmem>> -> memref<128x128xf32, #tpu.memory_space<vmem>>
    %dma_start3A_144 = arith.constant 1152 : i32
    %dma_start3A_145 = tpu.memref_slice %arg5[%dma_start3A_144] : memref<1536xi32, #tpu.memory_space<vmem>> -> memref<128xi32, #tpu.memory_space<vmem>>
    %dma_start3A_146 = arith.constant 0 : i32
    %dma_start3A_147 = arith.constant 0 : i32
    %dma_start3A_148 = tpu.memref_slice %arg2[%dma_start3A_146, %dma_start3A_147] : memref<12800x128xf32, #tpu.memory_space<hbm>> -> memref<12800x128xf32, #tpu.memory_space<hbm>>
    tpu.enqueue_indirect_dma source(%dma_start3A_148 : memref<12800x128xf32, #tpu.memory_space<hbm>>) target(%dma_start3A_143 : memref<128x128xf32, #tpu.memory_space<vmem>>) offsets(%dma_start3A_145 : memref<128xi32, #tpu.memory_space<vmem>>) semaphore(%arg7 : memref<!tpu.dma_semaphore, #tpu.memory_space<semaphore_mem>>)
    %dma_start3A_149 = arith.constant 256 : i32
    %dma_start3A_150 = arith.constant 0 : i32
    %dma_start3A_151 = tpu.memref_slice %arg6[%dma_start3A_149, %dma_start3A_150] : memref<512x128xf32, #tpu.memory_space<vmem>> -> memref<128x128xf32, #tpu.memory_space<vmem>>
    %dma_start3A_152 = arith.constant 1280 : i32
    %dma_start3A_153 = tpu.memref_slice %arg5[%dma_start3A_152] : memref<1536xi32, #tpu.memory_space<vmem>> -> memref<128xi32, #tpu.memory_space<vmem>>
    %dma_start3A_154 = arith.constant 0 : i32
    %dma_start3A_155 = arith.constant 0 : i32
    %dma_start3A_156 = tpu.memref_slice %arg2[%dma_start3A_154, %dma_start3A_155] : memref<12800x128xf32, #tpu.memory_space<hbm>> -> memref<12800x128xf32, #tpu.memory_space<hbm>>
    tpu.enqueue_indirect_dma source(%dma_start3A_156 : memref<12800x128xf32, #tpu.memory_space<hbm>>) target(%dma_start3A_151 : memref<128x128xf32, #tpu.memory_space<vmem>>) offsets(%dma_start3A_153 : memref<128xi32, #tpu.memory_space<vmem>>) semaphore(%arg7 : memref<!tpu.dma_semaphore, #tpu.memory_space<semaphore_mem>>)
    %dma_start3A_157 = arith.constant 384 : i32
    %dma_start3A_158 = arith.constant 0 : i32
    %dma_start3A_159 = tpu.memref_slice %arg6[%dma_start3A_157, %dma_start3A_158] : memref<512x128xf32, #tpu.memory_space<vmem>> -> memref<128x128xf32, #tpu.memory_space<vmem>>
    %dma_start3A_160 = arith.constant 1408 : i32
    %dma_start3A_161 = tpu.memref_slice %arg5[%dma_start3A_160] : memref<1536xi32, #tpu.memory_space<vmem>> -> memref<128xi32, #tpu.memory_space<vmem>>
    %dma_start3A_162 = arith.constant 0 : i32
    %dma_start3A_163 = arith.constant 0 : i32
    %dma_start3A_164 = tpu.memref_slice %arg2[%dma_start3A_162, %dma_start3A_163] : memref<12800x128xf32, #tpu.memory_space<hbm>> -> memref<12800x128xf32, #tpu.memory_space<hbm>>
    tpu.enqueue_indirect_dma source(%dma_start3A_164 : memref<12800x128xf32, #tpu.memory_space<hbm>>) target(%dma_start3A_159 : memref<128x128xf32, #tpu.memory_space<vmem>>) offsets(%dma_start3A_161 : memref<128xi32, #tpu.memory_space<vmem>>) semaphore(%arg7 : memref<!tpu.dma_semaphore, #tpu.memory_space<semaphore_mem>>)
    %dma_wait3A_165 = arith.constant 0 : i32
    %dma_wait3A_166 = arith.constant 0 : i32
    %dma_wait3A_167 = tpu.memref_slice %arg6[%dma_wait3A_165, %dma_wait3A_166] : memref<512x128xf32, #tpu.memory_space<vmem>> -> memref<128x128xf32, #tpu.memory_space<vmem>>
    %dma_wait3A_168 = arith.constant 1024 : i32
    %dma_wait3A_169 = tpu.memref_slice %arg5[%dma_wait3A_168] : memref<1536xi32, #tpu.memory_space<vmem>> -> memref<128xi32, #tpu.memory_space<vmem>>
    %dma_wait3A_170 = arith.constant 0 : i32
    %dma_wait3A_171 = arith.constant 0 : i32
    %dma_wait3A_172 = tpu.memref_slice %arg2[%dma_wait3A_170, %dma_wait3A_171] : memref<12800x128xf32, #tpu.memory_space<hbm>> -> memref<12800x128xf32, #tpu.memory_space<hbm>>
    tpu.wait_indirect_dma semaphore(%arg7 : memref<!tpu.dma_semaphore, #tpu.memory_space<semaphore_mem>>) src(%dma_wait3A_172 : memref<12800x128xf32, #tpu.memory_space<hbm>>) dst(%dma_wait3A_167 : memref<128x128xf32, #tpu.memory_space<vmem>>)
    %dma_wait3A_173 = arith.constant 128 : i32
    %dma_wait3A_174 = arith.constant 0 : i32
    %dma_wait3A_175 = tpu.memref_slice %arg6[%dma_wait3A_173, %dma_wait3A_174] : memref<512x128xf32, #tpu.memory_space<vmem>> -> memref<128x128xf32, #tpu.memory_space<vmem>>
    %dma_wait3A_176 = arith.constant 1152 : i32
    %dma_wait3A_177 = tpu.memref_slice %arg5[%dma_wait3A_176] : memref<1536xi32, #tpu.memory_space<vmem>> -> memref<128xi32, #tpu.memory_space<vmem>>
    %dma_wait3A_178 = arith.constant 0 : i32
    %dma_wait3A_179 = arith.constant 0 : i32
    %dma_wait3A_180 = tpu.memref_slice %arg2[%dma_wait3A_178, %dma_wait3A_179] : memref<12800x128xf32, #tpu.memory_space<hbm>> -> memref<12800x128xf32, #tpu.memory_space<hbm>>
    tpu.wait_indirect_dma semaphore(%arg7 : memref<!tpu.dma_semaphore, #tpu.memory_space<semaphore_mem>>) src(%dma_wait3A_180 : memref<12800x128xf32, #tpu.memory_space<hbm>>) dst(%dma_wait3A_175 : memref<128x128xf32, #tpu.memory_space<vmem>>)
    %dma_wait3A_181 = arith.constant 256 : i32
    %dma_wait3A_182 = arith.constant 0 : i32
    %dma_wait3A_183 = tpu.memref_slice %arg6[%dma_wait3A_181, %dma_wait3A_182] : memref<512x128xf32, #tpu.memory_space<vmem>> -> memref<128x128xf32, #tpu.memory_space<vmem>>
    %dma_wait3A_184 = arith.constant 1280 : i32
    %dma_wait3A_185 = tpu.memref_slice %arg5[%dma_wait3A_184] : memref<1536xi32, #tpu.memory_space<vmem>> -> memref<128xi32, #tpu.memory_space<vmem>>
    %dma_wait3A_186 = arith.constant 0 : i32
    %dma_wait3A_187 = arith.constant 0 : i32
    %dma_wait3A_188 = tpu.memref_slice %arg2[%dma_wait3A_186, %dma_wait3A_187] : memref<12800x128xf32, #tpu.memory_space<hbm>> -> memref<12800x128xf32, #tpu.memory_space<hbm>>
    tpu.wait_indirect_dma semaphore(%arg7 : memref<!tpu.dma_semaphore, #tpu.memory_space<semaphore_mem>>) src(%dma_wait3A_188 : memref<12800x128xf32, #tpu.memory_space<hbm>>) dst(%dma_wait3A_183 : memref<128x128xf32, #tpu.memory_space<vmem>>)
    %dma_wait3A_189 = arith.constant 384 : i32
    %dma_wait3A_190 = arith.constant 0 : i32
    %dma_wait3A_191 = tpu.memref_slice %arg6[%dma_wait3A_189, %dma_wait3A_190] : memref<512x128xf32, #tpu.memory_space<vmem>> -> memref<128x128xf32, #tpu.memory_space<vmem>>
    %dma_wait3A_192 = arith.constant 1408 : i32
    %dma_wait3A_193 = tpu.memref_slice %arg5[%dma_wait3A_192] : memref<1536xi32, #tpu.memory_space<vmem>> -> memref<128xi32, #tpu.memory_space<vmem>>
    %dma_wait3A_194 = arith.constant 0 : i32
    %dma_wait3A_195 = arith.constant 0 : i32
    %dma_wait3A_196 = tpu.memref_slice %arg2[%dma_wait3A_194, %dma_wait3A_195] : memref<12800x128xf32, #tpu.memory_space<hbm>> -> memref<12800x128xf32, #tpu.memory_space<hbm>>
    tpu.wait_indirect_dma semaphore(%arg7 : memref<!tpu.dma_semaphore, #tpu.memory_space<semaphore_mem>>) src(%dma_wait3A_196 : memref<12800x128xf32, #tpu.memory_space<hbm>>) dst(%dma_wait3A_191 : memref<128x128xf32, #tpu.memory_space<vmem>>)
    %add3A_197 = arith.constant 1024 : i32
    %add3A_198 = arith.addi %mul3A_2, %add3A_197 : i32
    "tpu.region"() ({
      %run_scoped3A = tpu.sem_alloc : memref<!tpu.dma_semaphore, #tpu.memory_space<semaphore_mem>>
      %dma_start3A_199 = arith.constant 0 : i32
      %dma_start3A_200 = tpu.memref_slice %arg4[%add3A_198, %dma_start3A_199] : memref<49152x128xf32, #tpu.memory_space<hbm>> -> memref<512x128xf32, #tpu.memory_space<hbm>>
      %dma_start3A_201 = arith.constant 0 : i32
      %dma_start3A_202 = tpu.memref_slice %arg4[%add3A_198, %dma_start3A_201] : memref<49152x128xf32, #tpu.memory_space<hbm>> -> memref<512x128xf32, #tpu.memory_space<hbm>>
      tpu.enqueue_dma source(%arg6 : memref<512x128xf32, #tpu.memory_space<vmem>>) target(%dma_start3A_202 : memref<512x128xf32, #tpu.memory_space<hbm>>) target_semaphore(%run_scoped3A : memref<!tpu.dma_semaphore, #tpu.memory_space<semaphore_mem>>)
      %dma_wait3A_203 = arith.constant 0 : i32
      %dma_wait3A_204 = tpu.memref_slice %arg4[%add3A_198, %dma_wait3A_203] : memref<49152x128xf32, #tpu.memory_space<hbm>> -> memref<512x128xf32, #tpu.memory_space<hbm>>
      %dma_wait3A_205 = arith.constant 0 : i32
      %dma_wait3A_206 = tpu.memref_slice %arg4[%add3A_198, %dma_wait3A_205] : memref<49152x128xf32, #tpu.memory_space<hbm>> -> memref<512x128xf32, #tpu.memory_space<hbm>>
      tpu.wait_dma2 semaphore(%run_scoped3A : memref<!tpu.dma_semaphore, #tpu.memory_space<semaphore_mem>>) src(%arg6 : memref<512x128xf32, #tpu.memory_space<vmem>>) dst(%dma_wait3A_206 : memref<512x128xf32, #tpu.memory_space<hbm>>)
      tpu.yield
    }) : () -> ()
    return
  }
}

module attributes {stable_mosaic.version = 14 : i64} {
  func.func @_p1_kernel(%arg0: i32, %arg1: memref<1024x16xf32, #tpu.memory_space<vmem>>, %arg2: memref<16x4096xf32, #tpu.memory_space<vmem>>, %arg3: memref<1024x384xi32, #tpu.memory_space<vmem>>, %arg4: memref<1024x3200xi32, #tpu.memory_space<vmem>>) attributes {dimension_semantics = [#tpu.dimension_semantics<arbitrary>], iteration_bounds = array<i64: 25>, scalar_prefetch = 0 : i64, scratch_operands = 1 : i64, tpu.core_type = #tpu.core_type<tc>, window_params = [{pipeline_mode = #tpu.pipeline_mode<synchronous>, transform_indices = @transform_0, window_bounds = array<i64: 1024, 16>}, {transform_indices = @transform_1, window_bounds = array<i64: 16, 4096>}, {pipeline_mode = #tpu.pipeline_mode<synchronous>, transform_indices = @transform_2, window_bounds = array<i64: 1024, 384>}]} {
    %get3A = arith.constant 0 : index
    %get3A_0 = arith.constant 0 : index
    %get3A_1 = vector.load %arg1[%get3A, %get3A_0] : memref<1024x16xf32, #tpu.memory_space<vmem>>, vector<1024x16xf32>
    %get3A_2 = arith.constant 0 : index
    %get3A_3 = arith.constant 0 : index
    %get3A_4 = vector.load %arg2[%get3A_2, %get3A_3] : memref<16x4096xf32, #tpu.memory_space<vmem>>, vector<16x4096xf32>
    %dot_general3A = arith.constant dense<0.000000e+00> : vector<1024x4096xf32>
    %dot_general3A_5 = tpu.matmul %get3A_1, %get3A_4, %dot_general3A {dimension_numbers = #tpu.dot_dimension_numbers<[1], [0], [0], [1], [0, 0, 1, 1], [], []>, transpose_lhs_hint = false} : vector<1024x16xf32>, vector<16x4096xf32>, vector<1024x4096xf32> -> vector<1024x4096xf32>
    %mul3A = arith.mulf %get3A_4, %get3A_4 : vector<16x4096xf32>
    %reduce_sum3A = arith.constant dense<0.000000e+00> : vector<4096xf32>
    %reduce_sum3A_6 = vector.multi_reduction <add>, %mul3A, %reduce_sum3A [0] : vector<16x4096xf32> to vector<4096xf32>
    %broadcast_in_dim3A = vector.shape_cast %reduce_sum3A_6 : vector<4096xf32> to vector<1x4096xf32>
    %mul3A_7 = arith.constant 2.500000e-01 : f32
    %mul3A_8 = vector.broadcast %mul3A_7 : f32 to vector<1x4096xf32>
    %mul3A_9 = arith.mulf %broadcast_in_dim3A, %mul3A_8 : vector<1x4096xf32>
    %add3A = vector.broadcast %mul3A_9 : vector<1x4096xf32> to vector<1024x4096xf32>
    %add3A_10 = arith.addf %dot_general3A_5, %add3A : vector<1024x4096xf32>
    %slice3A = vector.extract_strided_slice %add3A_10 {offsets = [0, 0], sizes = [1024, 2048], strides = [1, 1]} : vector<1024x4096xf32> to vector<1024x2048xf32>
    %slice3A_11 = vector.extract_strided_slice %add3A_10 {offsets = [0, 2048], sizes = [1024, 2048], strides = [1, 1]} : vector<1024x4096xf32> to vector<1024x2048xf32>
    %min3A = arith.minimumf %slice3A, %slice3A_11 : vector<1024x2048xf32>
    %slice3A_12 = vector.extract_strided_slice %min3A {offsets = [0, 0], sizes = [1024, 1024], strides = [1, 1]} : vector<1024x2048xf32> to vector<1024x1024xf32>
    %slice3A_13 = vector.extract_strided_slice %min3A {offsets = [0, 1024], sizes = [1024, 1024], strides = [1, 1]} : vector<1024x2048xf32> to vector<1024x1024xf32>
    %min3A_14 = arith.minimumf %slice3A_12, %slice3A_13 : vector<1024x1024xf32>
    %slice3A_15 = vector.extract_strided_slice %min3A_14 {offsets = [0, 0], sizes = [1024, 512], strides = [1, 1]} : vector<1024x1024xf32> to vector<1024x512xf32>
    %slice3A_16 = vector.extract_strided_slice %min3A_14 {offsets = [0, 512], sizes = [1024, 512], strides = [1, 1]} : vector<1024x1024xf32> to vector<1024x512xf32>
    %min3A_17 = arith.minimumf %slice3A_15, %slice3A_16 : vector<1024x512xf32>
    %slice3A_18 = vector.extract_strided_slice %min3A_17 {offsets = [0, 0], sizes = [1024, 256], strides = [1, 1]} : vector<1024x512xf32> to vector<1024x256xf32>
    %slice3A_19 = vector.extract_strided_slice %min3A_17 {offsets = [0, 256], sizes = [1024, 256], strides = [1, 1]} : vector<1024x512xf32> to vector<1024x256xf32>
    %min3A_20 = arith.minimumf %slice3A_18, %slice3A_19 : vector<1024x256xf32>
    %slice3A_21 = vector.extract_strided_slice %min3A_20 {offsets = [0, 0], sizes = [1024, 128], strides = [1, 1]} : vector<1024x256xf32> to vector<1024x128xf32>
    %slice3A_22 = vector.extract_strided_slice %min3A_20 {offsets = [0, 128], sizes = [1024, 128], strides = [1, 1]} : vector<1024x256xf32> to vector<1024x128xf32>
    %min3A_23 = arith.minimumf %slice3A_21, %slice3A_22 : vector<1024x128xf32>
    %mul3A_24 = arith.mulf %get3A_1, %get3A_1 : vector<1024x16xf32>
    %reduce_sum3A_25 = arith.constant dense<0.000000e+00> : vector<1024xf32>
    %reduce_sum3A_26 = vector.multi_reduction <add>, %mul3A_24, %reduce_sum3A_25 [1] : vector<1024x16xf32> to vector<1024xf32>
    %broadcast_in_dim3A_27 = vector.shape_cast %reduce_sum3A_26 : vector<1024xf32> to vector<1024x1xf32>
    %add3A_28 = vector.broadcast %broadcast_in_dim3A_27 : vector<1024x1xf32> to vector<1024x128xf32>
    %add3A_29 = arith.addf %min3A_23, %add3A_28 : vector<1024x128xf32>
    %max3A = arith.constant 9.99999996E-13 : f32
    %max3A_30 = vector.broadcast %max3A : f32 to vector<1024x128xf32>
    %max3A_31 = arith.maximumf %add3A_29, %max3A_30 : vector<1024x128xf32>
    %bitcast_convert_type3A = tpu.bitcast %max3A_31 : vector<1024x128xf32> -> vector<1024x128xi32>
    %iota3A = tpu.iota {dimensions = array<i32: 1>} : vector<1x128xi32>
    %mul3A_32 = arith.constant 128 : i32
    %mul3A_33 = arith.muli %arg0, %mul3A_32 : i32
    %add3A_34 = vector.broadcast %mul3A_33 : i32 to vector<1x128xi32>
    %add3A_35 = arith.addi %iota3A, %add3A_34 : vector<1x128xi32>
    %and3A = arith.constant -4096 : i32
    %and3A_36 = vector.broadcast %and3A : i32 to vector<1024x128xi32>
    %and3A_37 = arith.andi %bitcast_convert_type3A, %and3A_36 : vector<1024x128xi32>
    %or3A = vector.broadcast %add3A_35 : vector<1x128xi32> to vector<1024x128xi32>
    %or3A_38 = arith.ori %and3A_37, %or3A : vector<1024x128xi32>
    %mul3A_39 = arith.constant 128 : i32
    %mul3A_40 = arith.muli %arg0, %mul3A_39 : i32
    %swap3A = arith.constant 0 : index
    %swap3A_41 = arith.index_cast %mul3A_40 : i32 to index
    %swap3A_42 = vector.load %arg4[%swap3A, %swap3A_41] : memref<1024x3200xi32, #tpu.memory_space<vmem>>, vector<1024x128xi32>
    tpu.vector_store %arg4[%swap3A, %swap3A_41], %or3A_38 {strides = array<i32>} : memref<1024x3200xi32, #tpu.memory_space<vmem>>, vector<1024x128xi32>,
    %eq3A = arith.constant 24 : i32
    %eq3A_43 = arith.cmpi eq, %arg0, %eq3A : i32
    %convert_element_type3A = arith.extui %eq3A_43 : i1 to i32
    %cond3A = arith.constant 0 : i32
    %cond3A_44 = arith.cmpi ne, %convert_element_type3A, %cond3A : i32
    scf.if %cond3A_44 {
      %get3A_45 = arith.constant 0 : index
      %get3A_46 = arith.constant 0 : index
      %get3A_47 = vector.load %arg4[%get3A_45, %get3A_46] : memref<1024x3200xi32, #tpu.memory_space<vmem>>, vector<1024x3200xi32>
      %iota3A_48 = tpu.iota {dimensions = array<i32: 1>} : vector<1x32xi32>
      %reduce_min3A = arith.constant dense<2147483647> : vector<1024xi32>
      %reduce_min3A_49 = vector.multi_reduction <minsi>, %get3A_47, %reduce_min3A [1] : vector<1024x3200xi32> to vector<1024xi32>
      %broadcast_in_dim3A_50 = vector.shape_cast %reduce_min3A_49 : vector<1024xi32> to vector<1024x1xi32>
      %eq3A_51 = vector.broadcast %broadcast_in_dim3A_50 : vector<1024x1xi32> to vector<1024x3200xi32>
      %eq3A_52 = arith.cmpi eq, %get3A_47, %eq3A_51 : vector<1024x3200xi32>
      %jit3A = arith.constant 2147483647 : i32
      %broadcast_in_dim3A_53 = vector.broadcast %jit3A : i32 to vector<1024x3200xi32>
      %select_n3A = arith.select %eq3A_52, %broadcast_in_dim3A_53, %get3A_47 : vector<1024x3200xi1>, vector<1024x3200xi32>
      %and3A_54 = arith.constant 4095 : i32
      %and3A_55 = vector.broadcast %and3A_54 : i32 to vector<1024x1xi32>
      %and3A_56 = arith.andi %broadcast_in_dim3A_50, %and3A_55 : vector<1024x1xi32>
      %mul3A_57 = arith.constant 32 : i32
      %mul3A_58 = vector.broadcast %mul3A_57 : i32 to vector<1024x1xi32>
      %mul3A_59 = arith.muli %and3A_56, %mul3A_58 : vector<1024x1xi32>
      %add3A_60 = vector.broadcast %mul3A_59 : vector<1024x1xi32> to vector<1024x32xi32>
      %add3A_61 = vector.broadcast %iota3A_48 : vector<1x32xi32> to vector<1024x32xi32>
      %add3A_62 = arith.addi %add3A_60, %add3A_61 : vector<1024x32xi32>
      %swap3A_63 = arith.constant 0 : index
      %swap3A_64 = arith.constant 0 : index
      %swap3A_65 = vector.load %arg3[%swap3A_63, %swap3A_64] : memref<1024x384xi32, #tpu.memory_space<vmem>>, vector<1024x32xi32>
      tpu.vector_store %arg3[%swap3A_63, %swap3A_64], %add3A_62 {strides = array<i32>} : memref<1024x384xi32, #tpu.memory_space<vmem>>, vector<1024x32xi32>,
      %reduce_min3A_66 = arith.constant dense<2147483647> : vector<1024xi32>
      %reduce_min3A_67 = vector.multi_reduction <minsi>, %select_n3A, %reduce_min3A_66 [1] : vector<1024x3200xi32> to vector<1024xi32>
      %broadcast_in_dim3A_68 = vector.shape_cast %reduce_min3A_67 : vector<1024xi32> to vector<1024x1xi32>
      %eq3A_69 = vector.broadcast %broadcast_in_dim3A_68 : vector<1024x1xi32> to vector<1024x3200xi32>
      %eq3A_70 = arith.cmpi eq, %select_n3A, %eq3A_69 : vector<1024x3200xi32>
      %jit3A_71 = arith.constant 2147483647 : i32
      %broadcast_in_dim3A_72 = vector.broadcast %jit3A_71 : i32 to vector<1024x3200xi32>
      %select_n3A_73 = arith.select %eq3A_70, %broadcast_in_dim3A_72, %select_n3A : vector<1024x3200xi1>, vector<1024x3200xi32>
      %and3A_74 = arith.constant 4095 : i32
      %and3A_75 = vector.broadcast %and3A_74 : i32 to vector<1024x1xi32>
      %and3A_76 = arith.andi %broadcast_in_dim3A_68, %and3A_75 : vector<1024x1xi32>
      %mul3A_77 = arith.constant 32 : i32
      %mul3A_78 = vector.broadcast %mul3A_77 : i32 to vector<1024x1xi32>
      %mul3A_79 = arith.muli %and3A_76, %mul3A_78 : vector<1024x1xi32>
      %add3A_80 = vector.broadcast %mul3A_79 : vector<1024x1xi32> to vector<1024x32xi32>
      %add3A_81 = vector.broadcast %iota3A_48 : vector<1x32xi32> to vector<1024x32xi32>
      %add3A_82 = arith.addi %add3A_80, %add3A_81 : vector<1024x32xi32>
      %swap3A_83 = arith.constant 0 : index
      %swap3A_84 = arith.constant 32 : index
      %swap3A_85 = vector.load %arg3[%swap3A_83, %swap3A_84] : memref<1024x384xi32, #tpu.memory_space<vmem>>, vector<1024x32xi32>
      tpu.vector_store %arg3[%swap3A_83, %swap3A_84], %add3A_82 {strides = array<i32>} : memref<1024x384xi32, #tpu.memory_space<vmem>>, vector<1024x32xi32>,
      %reduce_min3A_86 = arith.constant dense<2147483647> : vector<1024xi32>
      %reduce_min3A_87 = vector.multi_reduction <minsi>, %select_n3A_73, %reduce_min3A_86 [1] : vector<1024x3200xi32> to vector<1024xi32>
      %broadcast_in_dim3A_88 = vector.shape_cast %reduce_min3A_87 : vector<1024xi32> to vector<1024x1xi32>
      %eq3A_89 = vector.broadcast %broadcast_in_dim3A_88 : vector<1024x1xi32> to vector<1024x3200xi32>
      %eq3A_90 = arith.cmpi eq, %select_n3A_73, %eq3A_89 : vector<1024x3200xi32>
      %jit3A_91 = arith.constant 2147483647 : i32
      %broadcast_in_dim3A_92 = vector.broadcast %jit3A_91 : i32 to vector<1024x3200xi32>
      %select_n3A_93 = arith.select %eq3A_90, %broadcast_in_dim3A_92, %select_n3A_73 : vector<1024x3200xi1>, vector<1024x3200xi32>
      %and3A_94 = arith.constant 4095 : i32
      %and3A_95 = vector.broadcast %and3A_94 : i32 to vector<1024x1xi32>
      %and3A_96 = arith.andi %broadcast_in_dim3A_88, %and3A_95 : vector<1024x1xi32>
      %mul3A_97 = arith.constant 32 : i32
      %mul3A_98 = vector.broadcast %mul3A_97 : i32 to vector<1024x1xi32>
      %mul3A_99 = arith.muli %and3A_96, %mul3A_98 : vector<1024x1xi32>
      %add3A_100 = vector.broadcast %mul3A_99 : vector<1024x1xi32> to vector<1024x32xi32>
      %add3A_101 = vector.broadcast %iota3A_48 : vector<1x32xi32> to vector<1024x32xi32>
      %add3A_102 = arith.addi %add3A_100, %add3A_101 : vector<1024x32xi32>
      %swap3A_103 = arith.constant 0 : index
      %swap3A_104 = arith.constant 64 : index
      %swap3A_105 = vector.load %arg3[%swap3A_103, %swap3A_104] : memref<1024x384xi32, #tpu.memory_space<vmem>>, vector<1024x32xi32>
      tpu.vector_store %arg3[%swap3A_103, %swap3A_104], %add3A_102 {strides = array<i32>} : memref<1024x384xi32, #tpu.memory_space<vmem>>, vector<1024x32xi32>,
      %reduce_min3A_106 = arith.constant dense<2147483647> : vector<1024xi32>
      %reduce_min3A_107 = vector.multi_reduction <minsi>, %select_n3A_93, %reduce_min3A_106 [1] : vector<1024x3200xi32> to vector<1024xi32>
      %broadcast_in_dim3A_108 = vector.shape_cast %reduce_min3A_107 : vector<1024xi32> to vector<1024x1xi32>
      %eq3A_109 = vector.broadcast %broadcast_in_dim3A_108 : vector<1024x1xi32> to vector<1024x3200xi32>
      %eq3A_110 = arith.cmpi eq, %select_n3A_93, %eq3A_109 : vector<1024x3200xi32>
      %jit3A_111 = arith.constant 2147483647 : i32
      %broadcast_in_dim3A_112 = vector.broadcast %jit3A_111 : i32 to vector<1024x3200xi32>
      %select_n3A_113 = arith.select %eq3A_110, %broadcast_in_dim3A_112, %select_n3A_93 : vector<1024x3200xi1>, vector<1024x3200xi32>
      %and3A_114 = arith.constant 4095 : i32
      %and3A_115 = vector.broadcast %and3A_114 : i32 to vector<1024x1xi32>
      %and3A_116 = arith.andi %broadcast_in_dim3A_108, %and3A_115 : vector<1024x1xi32>
      %mul3A_117 = arith.constant 32 : i32
      %mul3A_118 = vector.broadcast %mul3A_117 : i32 to vector<1024x1xi32>
      %mul3A_119 = arith.muli %and3A_116, %mul3A_118 : vector<1024x1xi32>
      %add3A_120 = vector.broadcast %mul3A_119 : vector<1024x1xi32> to vector<1024x32xi32>
      %add3A_121 = vector.broadcast %iota3A_48 : vector<1x32xi32> to vector<1024x32xi32>
      %add3A_122 = arith.addi %add3A_120, %add3A_121 : vector<1024x32xi32>
      %swap3A_123 = arith.constant 0 : index
      %swap3A_124 = arith.constant 96 : index
      %swap3A_125 = vector.load %arg3[%swap3A_123, %swap3A_124] : memref<1024x384xi32, #tpu.memory_space<vmem>>, vector<1024x32xi32>
      tpu.vector_store %arg3[%swap3A_123, %swap3A_124], %add3A_122 {strides = array<i32>} : memref<1024x384xi32, #tpu.memory_space<vmem>>, vector<1024x32xi32>,
      %reduce_min3A_126 = arith.constant dense<2147483647> : vector<1024xi32>
      %reduce_min3A_127 = vector.multi_reduction <minsi>, %select_n3A_113, %reduce_min3A_126 [1] : vector<1024x3200xi32> to vector<1024xi32>
      %broadcast_in_dim3A_128 = vector.shape_cast %reduce_min3A_127 : vector<1024xi32> to vector<1024x1xi32>
      %eq3A_129 = vector.broadcast %broadcast_in_dim3A_128 : vector<1024x1xi32> to vector<1024x3200xi32>
      %eq3A_130 = arith.cmpi eq, %select_n3A_113, %eq3A_129 : vector<1024x3200xi32>
      %jit3A_131 = arith.constant 2147483647 : i32
      %broadcast_in_dim3A_132 = vector.broadcast %jit3A_131 : i32 to vector<1024x3200xi32>
      %select_n3A_133 = arith.select %eq3A_130, %broadcast_in_dim3A_132, %select_n3A_113 : vector<1024x3200xi1>, vector<1024x3200xi32>
      %and3A_134 = arith.constant 4095 : i32
      %and3A_135 = vector.broadcast %and3A_134 : i32 to vector<1024x1xi32>
      %and3A_136 = arith.andi %broadcast_in_dim3A_128, %and3A_135 : vector<1024x1xi32>
      %mul3A_137 = arith.constant 32 : i32
      %mul3A_138 = vector.broadcast %mul3A_137 : i32 to vector<1024x1xi32>
      %mul3A_139 = arith.muli %and3A_136, %mul3A_138 : vector<1024x1xi32>
      %add3A_140 = vector.broadcast %mul3A_139 : vector<1024x1xi32> to vector<1024x32xi32>
      %add3A_141 = vector.broadcast %iota3A_48 : vector<1x32xi32> to vector<1024x32xi32>
      %add3A_142 = arith.addi %add3A_140, %add3A_141 : vector<1024x32xi32>
      %swap3A_143 = arith.constant 0 : index
      %swap3A_144 = arith.constant 128 : index
      %swap3A_145 = vector.load %arg3[%swap3A_143, %swap3A_144] : memref<1024x384xi32, #tpu.memory_space<vmem>>, vector<1024x32xi32>
      tpu.vector_store %arg3[%swap3A_143, %swap3A_144], %add3A_142 {strides = array<i32>} : memref<1024x384xi32, #tpu.memory_space<vmem>>, vector<1024x32xi32>,
      %reduce_min3A_146 = arith.constant dense<2147483647> : vector<1024xi32>
      %reduce_min3A_147 = vector.multi_reduction <minsi>, %select_n3A_133, %reduce_min3A_146 [1] : vector<1024x3200xi32> to vector<1024xi32>
      %broadcast_in_dim3A_148 = vector.shape_cast %reduce_min3A_147 : vector<1024xi32> to vector<1024x1xi32>
      %eq3A_149 = vector.broadcast %broadcast_in_dim3A_148 : vector<1024x1xi32> to vector<1024x3200xi32>
      %eq3A_150 = arith.cmpi eq, %select_n3A_133, %eq3A_149 : vector<1024x3200xi32>
      %jit3A_151 = arith.constant 2147483647 : i32
      %broadcast_in_dim3A_152 = vector.broadcast %jit3A_151 : i32 to vector<1024x3200xi32>
      %select_n3A_153 = arith.select %eq3A_150, %broadcast_in_dim3A_152, %select_n3A_133 : vector<1024x3200xi1>, vector<1024x3200xi32>
      %and3A_154 = arith.constant 4095 : i32
      %and3A_155 = vector.broadcast %and3A_154 : i32 to vector<1024x1xi32>
      %and3A_156 = arith.andi %broadcast_in_dim3A_148, %and3A_155 : vector<1024x1xi32>
      %mul3A_157 = arith.constant 32 : i32
      %mul3A_158 = vector.broadcast %mul3A_157 : i32 to vector<1024x1xi32>
      %mul3A_159 = arith.muli %and3A_156, %mul3A_158 : vector<1024x1xi32>
      %add3A_160 = vector.broadcast %mul3A_159 : vector<1024x1xi32> to vector<1024x32xi32>
      %add3A_161 = vector.broadcast %iota3A_48 : vector<1x32xi32> to vector<1024x32xi32>
      %add3A_162 = arith.addi %add3A_160, %add3A_161 : vector<1024x32xi32>
      %swap3A_163 = arith.constant 0 : index
      %swap3A_164 = arith.constant 160 : index
      %swap3A_165 = vector.load %arg3[%swap3A_163, %swap3A_164] : memref<1024x384xi32, #tpu.memory_space<vmem>>, vector<1024x32xi32>
      tpu.vector_store %arg3[%swap3A_163, %swap3A_164], %add3A_162 {strides = array<i32>} : memref<1024x384xi32, #tpu.memory_space<vmem>>, vector<1024x32xi32>,
      %reduce_min3A_166 = arith.constant dense<2147483647> : vector<1024xi32>
      %reduce_min3A_167 = vector.multi_reduction <minsi>, %select_n3A_153, %reduce_min3A_166 [1] : vector<1024x3200xi32> to vector<1024xi32>
      %broadcast_in_dim3A_168 = vector.shape_cast %reduce_min3A_167 : vector<1024xi32> to vector<1024x1xi32>
      %eq3A_169 = vector.broadcast %broadcast_in_dim3A_168 : vector<1024x1xi32> to vector<1024x3200xi32>
      %eq3A_170 = arith.cmpi eq, %select_n3A_153, %eq3A_169 : vector<1024x3200xi32>
      %jit3A_171 = arith.constant 2147483647 : i32
      %broadcast_in_dim3A_172 = vector.broadcast %jit3A_171 : i32 to vector<1024x3200xi32>
      %select_n3A_173 = arith.select %eq3A_170, %broadcast_in_dim3A_172, %select_n3A_153 : vector<1024x3200xi1>, vector<1024x3200xi32>
      %and3A_174 = arith.constant 4095 : i32
      %and3A_175 = vector.broadcast %and3A_174 : i32 to vector<1024x1xi32>
      %and3A_176 = arith.andi %broadcast_in_dim3A_168, %and3A_175 : vector<1024x1xi32>
      %mul3A_177 = arith.constant 32 : i32
      %mul3A_178 = vector.broadcast %mul3A_177 : i32 to vector<1024x1xi32>
      %mul3A_179 = arith.muli %and3A_176, %mul3A_178 : vector<1024x1xi32>
      %add3A_180 = vector.broadcast %mul3A_179 : vector<1024x1xi32> to vector<1024x32xi32>
      %add3A_181 = vector.broadcast %iota3A_48 : vector<1x32xi32> to vector<1024x32xi32>
      %add3A_182 = arith.addi %add3A_180, %add3A_181 : vector<1024x32xi32>
      %swap3A_183 = arith.constant 0 : index
      %swap3A_184 = arith.constant 192 : index
      %swap3A_185 = vector.load %arg3[%swap3A_183, %swap3A_184] : memref<1024x384xi32, #tpu.memory_space<vmem>>, vector<1024x32xi32>
      tpu.vector_store %arg3[%swap3A_183, %swap3A_184], %add3A_182 {strides = array<i32>} : memref<1024x384xi32, #tpu.memory_space<vmem>>, vector<1024x32xi32>,
      %reduce_min3A_186 = arith.constant dense<2147483647> : vector<1024xi32>
      %reduce_min3A_187 = vector.multi_reduction <minsi>, %select_n3A_173, %reduce_min3A_186 [1] : vector<1024x3200xi32> to vector<1024xi32>
      %broadcast_in_dim3A_188 = vector.shape_cast %reduce_min3A_187 : vector<1024xi32> to vector<1024x1xi32>
      %eq3A_189 = vector.broadcast %broadcast_in_dim3A_188 : vector<1024x1xi32> to vector<1024x3200xi32>
      %eq3A_190 = arith.cmpi eq, %select_n3A_173, %eq3A_189 : vector<1024x3200xi32>
      %jit3A_191 = arith.constant 2147483647 : i32
      %broadcast_in_dim3A_192 = vector.broadcast %jit3A_191 : i32 to vector<1024x3200xi32>
      %select_n3A_193 = arith.select %eq3A_190, %broadcast_in_dim3A_192, %select_n3A_173 : vector<1024x3200xi1>, vector<1024x3200xi32>
      %and3A_194 = arith.constant 4095 : i32
      %and3A_195 = vector.broadcast %and3A_194 : i32 to vector<1024x1xi32>
      %and3A_196 = arith.andi %broadcast_in_dim3A_188, %and3A_195 : vector<1024x1xi32>
      %mul3A_197 = arith.constant 32 : i32
      %mul3A_198 = vector.broadcast %mul3A_197 : i32 to vector<1024x1xi32>
      %mul3A_199 = arith.muli %and3A_196, %mul3A_198 : vector<1024x1xi32>
      %add3A_200 = vector.broadcast %mul3A_199 : vector<1024x1xi32> to vector<1024x32xi32>
      %add3A_201 = vector.broadcast %iota3A_48 : vector<1x32xi32> to vector<1024x32xi32>
      %add3A_202 = arith.addi %add3A_200, %add3A_201 : vector<1024x32xi32>
      %swap3A_203 = arith.constant 0 : index
      %swap3A_204 = arith.constant 224 : index
      %swap3A_205 = vector.load %arg3[%swap3A_203, %swap3A_204] : memref<1024x384xi32, #tpu.memory_space<vmem>>, vector<1024x32xi32>
      tpu.vector_store %arg3[%swap3A_203, %swap3A_204], %add3A_202 {strides = array<i32>} : memref<1024x384xi32, #tpu.memory_space<vmem>>, vector<1024x32xi32>,
      %reduce_min3A_206 = arith.constant dense<2147483647> : vector<1024xi32>
      %reduce_min3A_207 = vector.multi_reduction <minsi>, %select_n3A_193, %reduce_min3A_206 [1] : vector<1024x3200xi32> to vector<1024xi32>
      %broadcast_in_dim3A_208 = vector.shape_cast %reduce_min3A_207 : vector<1024xi32> to vector<1024x1xi32>
      %eq3A_209 = vector.broadcast %broadcast_in_dim3A_208 : vector<1024x1xi32> to vector<1024x3200xi32>
      %eq3A_210 = arith.cmpi eq, %select_n3A_193, %eq3A_209 : vector<1024x3200xi32>
      %jit3A_211 = arith.constant 2147483647 : i32
      %broadcast_in_dim3A_212 = vector.broadcast %jit3A_211 : i32 to vector<1024x3200xi32>
      %select_n3A_213 = arith.select %eq3A_210, %broadcast_in_dim3A_212, %select_n3A_193 : vector<1024x3200xi1>, vector<1024x3200xi32>
      %and3A_214 = arith.constant 4095 : i32
      %and3A_215 = vector.broadcast %and3A_214 : i32 to vector<1024x1xi32>
      %and3A_216 = arith.andi %broadcast_in_dim3A_208, %and3A_215 : vector<1024x1xi32>
      %mul3A_217 = arith.constant 32 : i32
      %mul3A_218 = vector.broadcast %mul3A_217 : i32 to vector<1024x1xi32>
      %mul3A_219 = arith.muli %and3A_216, %mul3A_218 : vector<1024x1xi32>
      %add3A_220 = vector.broadcast %mul3A_219 : vector<1024x1xi32> to vector<1024x32xi32>
      %add3A_221 = vector.broadcast %iota3A_48 : vector<1x32xi32> to vector<1024x32xi32>
      %add3A_222 = arith.addi %add3A_220, %add3A_221 : vector<1024x32xi32>
      %swap3A_223 = arith.constant 0 : index
      %swap3A_224 = arith.constant 256 : index
      %swap3A_225 = vector.load %arg3[%swap3A_223, %swap3A_224] : memref<1024x384xi32, #tpu.memory_space<vmem>>, vector<1024x32xi32>
      tpu.vector_store %arg3[%swap3A_223, %swap3A_224], %add3A_222 {strides = array<i32>} : memref<1024x384xi32, #tpu.memory_space<vmem>>, vector<1024x32xi32>,
      %reduce_min3A_226 = arith.constant dense<2147483647> : vector<1024xi32>
      %reduce_min3A_227 = vector.multi_reduction <minsi>, %select_n3A_213, %reduce_min3A_226 [1] : vector<1024x3200xi32> to vector<1024xi32>
      %broadcast_in_dim3A_228 = vector.shape_cast %reduce_min3A_227 : vector<1024xi32> to vector<1024x1xi32>
      %eq3A_229 = vector.broadcast %broadcast_in_dim3A_228 : vector<1024x1xi32> to vector<1024x3200xi32>
      %eq3A_230 = arith.cmpi eq, %select_n3A_213, %eq3A_229 : vector<1024x3200xi32>
      %jit3A_231 = arith.constant 2147483647 : i32
      %broadcast_in_dim3A_232 = vector.broadcast %jit3A_231 : i32 to vector<1024x3200xi32>
      %select_n3A_233 = arith.select %eq3A_230, %broadcast_in_dim3A_232, %select_n3A_213 : vector<1024x3200xi1>, vector<1024x3200xi32>
      %and3A_234 = arith.constant 4095 : i32
      %and3A_235 = vector.broadcast %and3A_234 : i32 to vector<1024x1xi32>
      %and3A_236 = arith.andi %broadcast_in_dim3A_228, %and3A_235 : vector<1024x1xi32>
      %mul3A_237 = arith.constant 32 : i32
      %mul3A_238 = vector.broadcast %mul3A_237 : i32 to vector<1024x1xi32>
      %mul3A_239 = arith.muli %and3A_236, %mul3A_238 : vector<1024x1xi32>
      %add3A_240 = vector.broadcast %mul3A_239 : vector<1024x1xi32> to vector<1024x32xi32>
      %add3A_241 = vector.broadcast %iota3A_48 : vector<1x32xi32> to vector<1024x32xi32>
      %add3A_242 = arith.addi %add3A_240, %add3A_241 : vector<1024x32xi32>
      %swap3A_243 = arith.constant 0 : index
      %swap3A_244 = arith.constant 288 : index
      %swap3A_245 = vector.load %arg3[%swap3A_243, %swap3A_244] : memref<1024x384xi32, #tpu.memory_space<vmem>>, vector<1024x32xi32>
      tpu.vector_store %arg3[%swap3A_243, %swap3A_244], %add3A_242 {strides = array<i32>} : memref<1024x384xi32, #tpu.memory_space<vmem>>, vector<1024x32xi32>,
      %reduce_min3A_246 = arith.constant dense<2147483647> : vector<1024xi32>
      %reduce_min3A_247 = vector.multi_reduction <minsi>, %select_n3A_233, %reduce_min3A_246 [1] : vector<1024x3200xi32> to vector<1024xi32>
      %broadcast_in_dim3A_248 = vector.shape_cast %reduce_min3A_247 : vector<1024xi32> to vector<1024x1xi32>
      %eq3A_249 = vector.broadcast %broadcast_in_dim3A_248 : vector<1024x1xi32> to vector<1024x3200xi32>
      %eq3A_250 = arith.cmpi eq, %select_n3A_233, %eq3A_249 : vector<1024x3200xi32>
      %jit3A_251 = arith.constant 2147483647 : i32
      %broadcast_in_dim3A_252 = vector.broadcast %jit3A_251 : i32 to vector<1024x3200xi32>
      %select_n3A_253 = arith.select %eq3A_250, %broadcast_in_dim3A_252, %select_n3A_233 : vector<1024x3200xi1>, vector<1024x3200xi32>
      %and3A_254 = arith.constant 4095 : i32
      %and3A_255 = vector.broadcast %and3A_254 : i32 to vector<1024x1xi32>
      %and3A_256 = arith.andi %broadcast_in_dim3A_248, %and3A_255 : vector<1024x1xi32>
      %mul3A_257 = arith.constant 32 : i32
      %mul3A_258 = vector.broadcast %mul3A_257 : i32 to vector<1024x1xi32>
      %mul3A_259 = arith.muli %and3A_256, %mul3A_258 : vector<1024x1xi32>
      %add3A_260 = vector.broadcast %mul3A_259 : vector<1024x1xi32> to vector<1024x32xi32>
      %add3A_261 = vector.broadcast %iota3A_48 : vector<1x32xi32> to vector<1024x32xi32>
      %add3A_262 = arith.addi %add3A_260, %add3A_261 : vector<1024x32xi32>
      %swap3A_263 = arith.constant 0 : index
      %swap3A_264 = arith.constant 320 : index
      %swap3A_265 = vector.load %arg3[%swap3A_263, %swap3A_264] : memref<1024x384xi32, #tpu.memory_space<vmem>>, vector<1024x32xi32>
      tpu.vector_store %arg3[%swap3A_263, %swap3A_264], %add3A_262 {strides = array<i32>} : memref<1024x384xi32, #tpu.memory_space<vmem>>, vector<1024x32xi32>,
      %reduce_min3A_266 = arith.constant dense<2147483647> : vector<1024xi32>
      %reduce_min3A_267 = vector.multi_reduction <minsi>, %select_n3A_253, %reduce_min3A_266 [1] : vector<1024x3200xi32> to vector<1024xi32>
      %broadcast_in_dim3A_268 = vector.shape_cast %reduce_min3A_267 : vector<1024xi32> to vector<1024x1xi32>
      %and3A_269 = arith.constant 4095 : i32
      %and3A_270 = vector.broadcast %and3A_269 : i32 to vector<1024x1xi32>
      %and3A_271 = arith.andi %broadcast_in_dim3A_268, %and3A_270 : vector<1024x1xi32>
      %mul3A_272 = arith.constant 32 : i32
      %mul3A_273 = vector.broadcast %mul3A_272 : i32 to vector<1024x1xi32>
      %mul3A_274 = arith.muli %and3A_271, %mul3A_273 : vector<1024x1xi32>
      %add3A_275 = vector.broadcast %mul3A_274 : vector<1024x1xi32> to vector<1024x32xi32>
      %add3A_276 = vector.broadcast %iota3A_48 : vector<1x32xi32> to vector<1024x32xi32>
      %add3A_277 = arith.addi %add3A_275, %add3A_276 : vector<1024x32xi32>
      %swap3A_278 = arith.constant 0 : index
      %swap3A_279 = arith.constant 352 : index
      %swap3A_280 = vector.load %arg3[%swap3A_278, %swap3A_279] : memref<1024x384xi32, #tpu.memory_space<vmem>>, vector<1024x32xi32>
      tpu.vector_store %arg3[%swap3A_278, %swap3A_279], %add3A_277 {strides = array<i32>} : memref<1024x384xi32, #tpu.memory_space<vmem>>, vector<1024x32xi32>,
    } else {
    }
    return
  }
  func.func @transform_0(%arg0: i32) -> (i32, i32) {
    %c0_i32 = arith.constant 0 : i32
    %c0_i32_0 = arith.constant 0 : i32
    %c0_i32_1 = arith.constant 0 : i32
    return %c0_i32, %c0_i32_0 : i32, i32
  }
  func.func @transform_1(%arg0: i32) -> (i32, i32) {
    %c0_i32 = arith.constant 0 : i32
    %c0_i32_0 = arith.constant 0 : i32
    return %c0_i32, %arg0 : i32, i32
  }
  func.func @transform_2(%arg0: i32) -> (i32, i32) {
    %c0_i32 = arith.constant 0 : i32
    %c0_i32_0 = arith.constant 0 : i32
    %c0_i32_1 = arith.constant 0 : i32
    return %c0_i32, %c0_i32_0 : i32, i32
  }
}

module attributes {stable_mosaic.version = 14 : i64} {
  func.func @_p3_kernel(%arg0: i32, %arg1: memref<64x16xf32, #tpu.memory_space<vmem>>, %arg2: memref<16x64x384xf32, #tpu.memory_space<vmem>>, %arg3: memref<64x384xi32, #tpu.memory_space<vmem>>, %arg4: memref<64x16xf32, #tpu.memory_space<vmem>>, %arg5: memref<64x16xf32, #tpu.memory_space<vmem>>) attributes {dimension_semantics = [#tpu.dimension_semantics<arbitrary>], iteration_bounds = array<i64: 16>, scalar_prefetch = 0 : i64, scratch_operands = 0 : i64, tpu.core_type = #tpu.core_type<tc>, window_params = [{transform_indices = @transform_0, window_bounds = array<i64: 64, 16>}, {transform_indices = @transform_1, window_bounds = array<i64: 16, 64, 384>}, {transform_indices = @transform_2, window_bounds = array<i64: 64, 384>}, {transform_indices = @transform_3, window_bounds = array<i64: 64, 16>}, {transform_indices = @transform_4, window_bounds = array<i64: 64, 16>}]} {
    %get3A = arith.constant 0 : index
    %get3A_0 = arith.constant 0 : index
    %get3A_1 = vector.load %arg1[%get3A, %get3A_0] : memref<64x16xf32, #tpu.memory_space<vmem>>, vector<64x16xf32>
    %get3A_2 = arith.constant 0 : index
    %get3A_3 = arith.constant 0 : index
    %get3A_4 = arith.constant 0 : index
    %get3A_5 = vector.load %arg2[%get3A_2, %get3A_3, %get3A_4] : memref<16x64x384xf32, #tpu.memory_space<vmem>>, vector<16x64x384xf32>
    %reshape3A = vector.shape_cast %get3A_5 : vector<16x64x384xf32> to vector<16x24576xf32>
    %dot_general3A = arith.constant dense<0.000000e+00> : vector<64x24576xf32>
    %dot_general3A_6 = tpu.matmul %get3A_1, %reshape3A, %dot_general3A {dimension_numbers = #tpu.dot_dimension_numbers<[1], [0], [0], [1], [0, 0, 1, 1], [], []>, transpose_lhs_hint = false} : vector<64x16xf32>, vector<16x24576xf32>, vector<64x24576xf32> -> vector<64x24576xf32>
    %slice3A = vector.extract_strided_slice %dot_general3A_6 {offsets = [0, 0], sizes = [1, 384], strides = [1, 1]} : vector<64x24576xf32> to vector<1x384xf32>
    %slice3A_7 = vector.extract_strided_slice %dot_general3A_6 {offsets = [1, 384], sizes = [1, 384], strides = [1, 1]} : vector<64x24576xf32> to vector<1x384xf32>
    %slice3A_8 = vector.extract_strided_slice %dot_general3A_6 {offsets = [2, 768], sizes = [1, 384], strides = [1, 1]} : vector<64x24576xf32> to vector<1x384xf32>
    %slice3A_9 = vector.extract_strided_slice %dot_general3A_6 {offsets = [3, 1152], sizes = [1, 384], strides = [1, 1]} : vector<64x24576xf32> to vector<1x384xf32>
    %slice3A_10 = vector.extract_strided_slice %dot_general3A_6 {offsets = [4, 1536], sizes = [1, 384], strides = [1, 1]} : vector<64x24576xf32> to vector<1x384xf32>
    %slice3A_11 = vector.extract_strided_slice %dot_general3A_6 {offsets = [5, 1920], sizes = [1, 384], strides = [1, 1]} : vector<64x24576xf32> to vector<1x384xf32>
    %slice3A_12 = vector.extract_strided_slice %dot_general3A_6 {offsets = [6, 2304], sizes = [1, 384], strides = [1, 1]} : vector<64x24576xf32> to vector<1x384xf32>
    %slice3A_13 = vector.extract_strided_slice %dot_general3A_6 {offsets = [7, 2688], sizes = [1, 384], strides = [1, 1]} : vector<64x24576xf32> to vector<1x384xf32>
    %slice3A_14 = vector.extract_strided_slice %dot_general3A_6 {offsets = [8, 3072], sizes = [1, 384], strides = [1, 1]} : vector<64x24576xf32> to vector<1x384xf32>
    %slice3A_15 = vector.extract_strided_slice %dot_general3A_6 {offsets = [9, 3456], sizes = [1, 384], strides = [1, 1]} : vector<64x24576xf32> to vector<1x384xf32>
    %slice3A_16 = vector.extract_strided_slice %dot_general3A_6 {offsets = [10, 3840], sizes = [1, 384], strides = [1, 1]} : vector<64x24576xf32> to vector<1x384xf32>
    %slice3A_17 = vector.extract_strided_slice %dot_general3A_6 {offsets = [11, 4224], sizes = [1, 384], strides = [1, 1]} : vector<64x24576xf32> to vector<1x384xf32>
    %slice3A_18 = vector.extract_strided_slice %dot_general3A_6 {offsets = [12, 4608], sizes = [1, 384], strides = [1, 1]} : vector<64x24576xf32> to vector<1x384xf32>
    %slice3A_19 = vector.extract_strided_slice %dot_general3A_6 {offsets = [13, 4992], sizes = [1, 384], strides = [1, 1]} : vector<64x24576xf32> to vector<1x384xf32>
    %slice3A_20 = vector.extract_strided_slice %dot_general3A_6 {offsets = [14, 5376], sizes = [1, 384], strides = [1, 1]} : vector<64x24576xf32> to vector<1x384xf32>
    %slice3A_21 = vector.extract_strided_slice %dot_general3A_6 {offsets = [15, 5760], sizes = [1, 384], strides = [1, 1]} : vector<64x24576xf32> to vector<1x384xf32>
    %slice3A_22 = vector.extract_strided_slice %dot_general3A_6 {offsets = [16, 6144], sizes = [1, 384], strides = [1, 1]} : vector<64x24576xf32> to vector<1x384xf32>
    %slice3A_23 = vector.extract_strided_slice %dot_general3A_6 {offsets = [17, 6528], sizes = [1, 384], strides = [1, 1]} : vector<64x24576xf32> to vector<1x384xf32>
    %slice3A_24 = vector.extract_strided_slice %dot_general3A_6 {offsets = [18, 6912], sizes = [1, 384], strides = [1, 1]} : vector<64x24576xf32> to vector<1x384xf32>
    %slice3A_25 = vector.extract_strided_slice %dot_general3A_6 {offsets = [19, 7296], sizes = [1, 384], strides = [1, 1]} : vector<64x24576xf32> to vector<1x384xf32>
    %slice3A_26 = vector.extract_strided_slice %dot_general3A_6 {offsets = [20, 7680], sizes = [1, 384], strides = [1, 1]} : vector<64x24576xf32> to vector<1x384xf32>
    %slice3A_27 = vector.extract_strided_slice %dot_general3A_6 {offsets = [21, 8064], sizes = [1, 384], strides = [1, 1]} : vector<64x24576xf32> to vector<1x384xf32>
    %slice3A_28 = vector.extract_strided_slice %dot_general3A_6 {offsets = [22, 8448], sizes = [1, 384], strides = [1, 1]} : vector<64x24576xf32> to vector<1x384xf32>
    %slice3A_29 = vector.extract_strided_slice %dot_general3A_6 {offsets = [23, 8832], sizes = [1, 384], strides = [1, 1]} : vector<64x24576xf32> to vector<1x384xf32>
    %slice3A_30 = vector.extract_strided_slice %dot_general3A_6 {offsets = [24, 9216], sizes = [1, 384], strides = [1, 1]} : vector<64x24576xf32> to vector<1x384xf32>
    %slice3A_31 = vector.extract_strided_slice %dot_general3A_6 {offsets = [25, 9600], sizes = [1, 384], strides = [1, 1]} : vector<64x24576xf32> to vector<1x384xf32>
    %slice3A_32 = vector.extract_strided_slice %dot_general3A_6 {offsets = [26, 9984], sizes = [1, 384], strides = [1, 1]} : vector<64x24576xf32> to vector<1x384xf32>
    %slice3A_33 = vector.extract_strided_slice %dot_general3A_6 {offsets = [27, 10368], sizes = [1, 384], strides = [1, 1]} : vector<64x24576xf32> to vector<1x384xf32>
    %slice3A_34 = vector.extract_strided_slice %dot_general3A_6 {offsets = [28, 10752], sizes = [1, 384], strides = [1, 1]} : vector<64x24576xf32> to vector<1x384xf32>
    %slice3A_35 = vector.extract_strided_slice %dot_general3A_6 {offsets = [29, 11136], sizes = [1, 384], strides = [1, 1]} : vector<64x24576xf32> to vector<1x384xf32>
    %slice3A_36 = vector.extract_strided_slice %dot_general3A_6 {offsets = [30, 11520], sizes = [1, 384], strides = [1, 1]} : vector<64x24576xf32> to vector<1x384xf32>
    %slice3A_37 = vector.extract_strided_slice %dot_general3A_6 {offsets = [31, 11904], sizes = [1, 384], strides = [1, 1]} : vector<64x24576xf32> to vector<1x384xf32>
    %slice3A_38 = vector.extract_strided_slice %dot_general3A_6 {offsets = [32, 12288], sizes = [1, 384], strides = [1, 1]} : vector<64x24576xf32> to vector<1x384xf32>
    %slice3A_39 = vector.extract_strided_slice %dot_general3A_6 {offsets = [33, 12672], sizes = [1, 384], strides = [1, 1]} : vector<64x24576xf32> to vector<1x384xf32>
    %slice3A_40 = vector.extract_strided_slice %dot_general3A_6 {offsets = [34, 13056], sizes = [1, 384], strides = [1, 1]} : vector<64x24576xf32> to vector<1x384xf32>
    %slice3A_41 = vector.extract_strided_slice %dot_general3A_6 {offsets = [35, 13440], sizes = [1, 384], strides = [1, 1]} : vector<64x24576xf32> to vector<1x384xf32>
    %slice3A_42 = vector.extract_strided_slice %dot_general3A_6 {offsets = [36, 13824], sizes = [1, 384], strides = [1, 1]} : vector<64x24576xf32> to vector<1x384xf32>
    %slice3A_43 = vector.extract_strided_slice %dot_general3A_6 {offsets = [37, 14208], sizes = [1, 384], strides = [1, 1]} : vector<64x24576xf32> to vector<1x384xf32>
    %slice3A_44 = vector.extract_strided_slice %dot_general3A_6 {offsets = [38, 14592], sizes = [1, 384], strides = [1, 1]} : vector<64x24576xf32> to vector<1x384xf32>
    %slice3A_45 = vector.extract_strided_slice %dot_general3A_6 {offsets = [39, 14976], sizes = [1, 384], strides = [1, 1]} : vector<64x24576xf32> to vector<1x384xf32>
    %slice3A_46 = vector.extract_strided_slice %dot_general3A_6 {offsets = [40, 15360], sizes = [1, 384], strides = [1, 1]} : vector<64x24576xf32> to vector<1x384xf32>
    %slice3A_47 = vector.extract_strided_slice %dot_general3A_6 {offsets = [41, 15744], sizes = [1, 384], strides = [1, 1]} : vector<64x24576xf32> to vector<1x384xf32>
    %slice3A_48 = vector.extract_strided_slice %dot_general3A_6 {offsets = [42, 16128], sizes = [1, 384], strides = [1, 1]} : vector<64x24576xf32> to vector<1x384xf32>
    %slice3A_49 = vector.extract_strided_slice %dot_general3A_6 {offsets = [43, 16512], sizes = [1, 384], strides = [1, 1]} : vector<64x24576xf32> to vector<1x384xf32>
    %slice3A_50 = vector.extract_strided_slice %dot_general3A_6 {offsets = [44, 16896], sizes = [1, 384], strides = [1, 1]} : vector<64x24576xf32> to vector<1x384xf32>
    %slice3A_51 = vector.extract_strided_slice %dot_general3A_6 {offsets = [45, 17280], sizes = [1, 384], strides = [1, 1]} : vector<64x24576xf32> to vector<1x384xf32>
    %slice3A_52 = vector.extract_strided_slice %dot_general3A_6 {offsets = [46, 17664], sizes = [1, 384], strides = [1, 1]} : vector<64x24576xf32> to vector<1x384xf32>
    %slice3A_53 = vector.extract_strided_slice %dot_general3A_6 {offsets = [47, 18048], sizes = [1, 384], strides = [1, 1]} : vector<64x24576xf32> to vector<1x384xf32>
    %slice3A_54 = vector.extract_strided_slice %dot_general3A_6 {offsets = [48, 18432], sizes = [1, 384], strides = [1, 1]} : vector<64x24576xf32> to vector<1x384xf32>
    %slice3A_55 = vector.extract_strided_slice %dot_general3A_6 {offsets = [49, 18816], sizes = [1, 384], strides = [1, 1]} : vector<64x24576xf32> to vector<1x384xf32>
    %slice3A_56 = vector.extract_strided_slice %dot_general3A_6 {offsets = [50, 19200], sizes = [1, 384], strides = [1, 1]} : vector<64x24576xf32> to vector<1x384xf32>
    %slice3A_57 = vector.extract_strided_slice %dot_general3A_6 {offsets = [51, 19584], sizes = [1, 384], strides = [1, 1]} : vector<64x24576xf32> to vector<1x384xf32>
    %slice3A_58 = vector.extract_strided_slice %dot_general3A_6 {offsets = [52, 19968], sizes = [1, 384], strides = [1, 1]} : vector<64x24576xf32> to vector<1x384xf32>
    %slice3A_59 = vector.extract_strided_slice %dot_general3A_6 {offsets = [53, 20352], sizes = [1, 384], strides = [1, 1]} : vector<64x24576xf32> to vector<1x384xf32>
    %slice3A_60 = vector.extract_strided_slice %dot_general3A_6 {offsets = [54, 20736], sizes = [1, 384], strides = [1, 1]} : vector<64x24576xf32> to vector<1x384xf32>
    %slice3A_61 = vector.extract_strided_slice %dot_general3A_6 {offsets = [55, 21120], sizes = [1, 384], strides = [1, 1]} : vector<64x24576xf32> to vector<1x384xf32>
    %slice3A_62 = vector.extract_strided_slice %dot_general3A_6 {offsets = [56, 21504], sizes = [1, 384], strides = [1, 1]} : vector<64x24576xf32> to vector<1x384xf32>
    %slice3A_63 = vector.extract_strided_slice %dot_general3A_6 {offsets = [57, 21888], sizes = [1, 384], strides = [1, 1]} : vector<64x24576xf32> to vector<1x384xf32>
    %slice3A_64 = vector.extract_strided_slice %dot_general3A_6 {offsets = [58, 22272], sizes = [1, 384], strides = [1, 1]} : vector<64x24576xf32> to vector<1x384xf32>
    %slice3A_65 = vector.extract_strided_slice %dot_general3A_6 {offsets = [59, 22656], sizes = [1, 384], strides = [1, 1]} : vector<64x24576xf32> to vector<1x384xf32>
    %slice3A_66 = vector.extract_strided_slice %dot_general3A_6 {offsets = [60, 23040], sizes = [1, 384], strides = [1, 1]} : vector<64x24576xf32> to vector<1x384xf32>
    %slice3A_67 = vector.extract_strided_slice %dot_general3A_6 {offsets = [61, 23424], sizes = [1, 384], strides = [1, 1]} : vector<64x24576xf32> to vector<1x384xf32>
    %slice3A_68 = vector.extract_strided_slice %dot_general3A_6 {offsets = [62, 23808], sizes = [1, 384], strides = [1, 1]} : vector<64x24576xf32> to vector<1x384xf32>
    %slice3A_69 = vector.extract_strided_slice %dot_general3A_6 {offsets = [63, 24192], sizes = [1, 384], strides = [1, 1]} : vector<64x24576xf32> to vector<1x384xf32>
    %concatenate3A = tpu.concatenate %slice3A, %slice3A_7, %slice3A_8, %slice3A_9, %slice3A_10, %slice3A_11, %slice3A_12, %slice3A_13, %slice3A_14, %slice3A_15, %slice3A_16, %slice3A_17, %slice3A_18, %slice3A_19, %slice3A_20, %slice3A_21, %slice3A_22, %slice3A_23, %slice3A_24, %slice3A_25, %slice3A_26, %slice3A_27, %slice3A_28, %slice3A_29, %slice3A_30, %slice3A_31, %slice3A_32, %slice3A_33, %slice3A_34, %slice3A_35, %slice3A_36, %slice3A_37, %slice3A_38, %slice3A_39, %slice3A_40, %slice3A_41, %slice3A_42, %slice3A_43, %slice3A_44, %slice3A_45, %slice3A_46, %slice3A_47, %slice3A_48, %slice3A_49, %slice3A_50, %slice3A_51, %slice3A_52, %slice3A_53, %slice3A_54, %slice3A_55, %slice3A_56, %slice3A_57, %slice3A_58, %slice3A_59, %slice3A_60, %slice3A_61, %slice3A_62, %slice3A_63, %slice3A_64, %slice3A_65, %slice3A_66, %slice3A_67, %slice3A_68, %slice3A_69 in 0 : vector<1x384xf32>, vector<1x384xf32>, vector<1x384xf32>, vector<1x384xf32>, vector<1x384xf32>, vector<1x384xf32>, vector<1x384xf32>, vector<1x384xf32>, vector<1x384xf32>, vector<1x384xf32>, vector<1x384xf32>, vector<1x384xf32>, vector<1x384xf32>, vector<1x384xf32>, vector<1x384xf32>, vector<1x384xf32>, vector<1x384xf32>, vector<1x384xf32>, vector<1x384xf32>, vector<1x384xf32>, vector<1x384xf32>, vector<1x384xf32>, vector<1x384xf32>, vector<1x384xf32>, vector<1x384xf32>, vector<1x384xf32>, vector<1x384xf32>, vector<1x384xf32>, vector<1x384xf32>, vector<1x384xf32>, vector<1x384xf32>, vector<1x384xf32>, vector<1x384xf32>, vector<1x384xf32>, vector<1x384xf32>, vector<1x384xf32>, vector<1x384xf32>, vector<1x384xf32>, vector<1x384xf32>, vector<1x384xf32>, vector<1x384xf32>, vector<1x384xf32>, vector<1x384xf32>, vector<1x384xf32>, vector<1x384xf32>, vector<1x384xf32>, vector<1x384xf32>, vector<1x384xf32>, vector<1x384xf32>, vector<1x384xf32>, vector<1x384xf32>, vector<1x384xf32>, vector<1x384xf32>, vector<1x384xf32>, vector<1x384xf32>, vector<1x384xf32>, vector<1x384xf32>, vector<1x384xf32>, vector<1x384xf32>, vector<1x384xf32>, vector<1x384xf32>, vector<1x384xf32>, vector<1x384xf32>, vector<1x384xf32> -> vector<64x384xf32>
    %broadcast_in_dim3A = arith.constant 0.000000e+00 : f32
    %broadcast_in_dim3A_70 = vector.broadcast %broadcast_in_dim3A : f32 to vector<64x384xf32>
    %slice3A_71 = vector.extract_strided_slice %get3A_5 {offsets = [0, 0, 0], sizes = [1, 64, 384], strides = [1, 1, 1]} : vector<16x64x384xf32> to vector<1x64x384xf32>
    %squeeze3A = vector.shape_cast %slice3A_71 : vector<1x64x384xf32> to vector<64x384xf32>
    %mul3A = arith.mulf %squeeze3A, %squeeze3A : vector<64x384xf32>
    %add3A = arith.addf %broadcast_in_dim3A_70, %mul3A : vector<64x384xf32>
    %slice3A_72 = vector.extract_strided_slice %get3A_5 {offsets = [1, 0, 0], sizes = [1, 64, 384], strides = [1, 1, 1]} : vector<16x64x384xf32> to vector<1x64x384xf32>
    %squeeze3A_73 = vector.shape_cast %slice3A_72 : vector<1x64x384xf32> to vector<64x384xf32>
    %mul3A_74 = arith.mulf %squeeze3A_73, %squeeze3A_73 : vector<64x384xf32>
    %add3A_75 = arith.addf %add3A, %mul3A_74 : vector<64x384xf32>
    %slice3A_76 = vector.extract_strided_slice %get3A_5 {offsets = [2, 0, 0], sizes = [1, 64, 384], strides = [1, 1, 1]} : vector<16x64x384xf32> to vector<1x64x384xf32>
    %squeeze3A_77 = vector.shape_cast %slice3A_76 : vector<1x64x384xf32> to vector<64x384xf32>
    %mul3A_78 = arith.mulf %squeeze3A_77, %squeeze3A_77 : vector<64x384xf32>
    %add3A_79 = arith.addf %add3A_75, %mul3A_78 : vector<64x384xf32>
    %slice3A_80 = vector.extract_strided_slice %get3A_5 {offsets = [3, 0, 0], sizes = [1, 64, 384], strides = [1, 1, 1]} : vector<16x64x384xf32> to vector<1x64x384xf32>
    %squeeze3A_81 = vector.shape_cast %slice3A_80 : vector<1x64x384xf32> to vector<64x384xf32>
    %mul3A_82 = arith.mulf %squeeze3A_81, %squeeze3A_81 : vector<64x384xf32>
    %add3A_83 = arith.addf %add3A_79, %mul3A_82 : vector<64x384xf32>
    %slice3A_84 = vector.extract_strided_slice %get3A_5 {offsets = [4, 0, 0], sizes = [1, 64, 384], strides = [1, 1, 1]} : vector<16x64x384xf32> to vector<1x64x384xf32>
    %squeeze3A_85 = vector.shape_cast %slice3A_84 : vector<1x64x384xf32> to vector<64x384xf32>
    %mul3A_86 = arith.mulf %squeeze3A_85, %squeeze3A_85 : vector<64x384xf32>
    %add3A_87 = arith.addf %add3A_83, %mul3A_86 : vector<64x384xf32>
    %slice3A_88 = vector.extract_strided_slice %get3A_5 {offsets = [5, 0, 0], sizes = [1, 64, 384], strides = [1, 1, 1]} : vector<16x64x384xf32> to vector<1x64x384xf32>
    %squeeze3A_89 = vector.shape_cast %slice3A_88 : vector<1x64x384xf32> to vector<64x384xf32>
    %mul3A_90 = arith.mulf %squeeze3A_89, %squeeze3A_89 : vector<64x384xf32>
    %add3A_91 = arith.addf %add3A_87, %mul3A_90 : vector<64x384xf32>
    %slice3A_92 = vector.extract_strided_slice %get3A_5 {offsets = [6, 0, 0], sizes = [1, 64, 384], strides = [1, 1, 1]} : vector<16x64x384xf32> to vector<1x64x384xf32>
    %squeeze3A_93 = vector.shape_cast %slice3A_92 : vector<1x64x384xf32> to vector<64x384xf32>
    %mul3A_94 = arith.mulf %squeeze3A_93, %squeeze3A_93 : vector<64x384xf32>
    %add3A_95 = arith.addf %add3A_91, %mul3A_94 : vector<64x384xf32>
    %slice3A_96 = vector.extract_strided_slice %get3A_5 {offsets = [7, 0, 0], sizes = [1, 64, 384], strides = [1, 1, 1]} : vector<16x64x384xf32> to vector<1x64x384xf32>
    %squeeze3A_97 = vector.shape_cast %slice3A_96 : vector<1x64x384xf32> to vector<64x384xf32>
    %mul3A_98 = arith.mulf %squeeze3A_97, %squeeze3A_97 : vector<64x384xf32>
    %add3A_99 = arith.addf %add3A_95, %mul3A_98 : vector<64x384xf32>
    %slice3A_100 = vector.extract_strided_slice %get3A_5 {offsets = [8, 0, 0], sizes = [1, 64, 384], strides = [1, 1, 1]} : vector<16x64x384xf32> to vector<1x64x384xf32>
    %squeeze3A_101 = vector.shape_cast %slice3A_100 : vector<1x64x384xf32> to vector<64x384xf32>
    %mul3A_102 = arith.mulf %squeeze3A_101, %squeeze3A_101 : vector<64x384xf32>
    %add3A_103 = arith.addf %add3A_99, %mul3A_102 : vector<64x384xf32>
    %slice3A_104 = vector.extract_strided_slice %get3A_5 {offsets = [9, 0, 0], sizes = [1, 64, 384], strides = [1, 1, 1]} : vector<16x64x384xf32> to vector<1x64x384xf32>
    %squeeze3A_105 = vector.shape_cast %slice3A_104 : vector<1x64x384xf32> to vector<64x384xf32>
    %mul3A_106 = arith.mulf %squeeze3A_105, %squeeze3A_105 : vector<64x384xf32>
    %add3A_107 = arith.addf %add3A_103, %mul3A_106 : vector<64x384xf32>
    %slice3A_108 = vector.extract_strided_slice %get3A_5 {offsets = [10, 0, 0], sizes = [1, 64, 384], strides = [1, 1, 1]} : vector<16x64x384xf32> to vector<1x64x384xf32>
    %squeeze3A_109 = vector.shape_cast %slice3A_108 : vector<1x64x384xf32> to vector<64x384xf32>
    %mul3A_110 = arith.mulf %squeeze3A_109, %squeeze3A_109 : vector<64x384xf32>
    %add3A_111 = arith.addf %add3A_107, %mul3A_110 : vector<64x384xf32>
    %slice3A_112 = vector.extract_strided_slice %get3A_5 {offsets = [11, 0, 0], sizes = [1, 64, 384], strides = [1, 1, 1]} : vector<16x64x384xf32> to vector<1x64x384xf32>
    %squeeze3A_113 = vector.shape_cast %slice3A_112 : vector<1x64x384xf32> to vector<64x384xf32>
    %mul3A_114 = arith.mulf %squeeze3A_113, %squeeze3A_113 : vector<64x384xf32>
    %add3A_115 = arith.addf %add3A_111, %mul3A_114 : vector<64x384xf32>
    %slice3A_116 = vector.extract_strided_slice %get3A_5 {offsets = [12, 0, 0], sizes = [1, 64, 384], strides = [1, 1, 1]} : vector<16x64x384xf32> to vector<1x64x384xf32>
    %squeeze3A_117 = vector.shape_cast %slice3A_116 : vector<1x64x384xf32> to vector<64x384xf32>
    %mul3A_118 = arith.mulf %squeeze3A_117, %squeeze3A_117 : vector<64x384xf32>
    %add3A_119 = arith.addf %add3A_115, %mul3A_118 : vector<64x384xf32>
    %slice3A_120 = vector.extract_strided_slice %get3A_5 {offsets = [13, 0, 0], sizes = [1, 64, 384], strides = [1, 1, 1]} : vector<16x64x384xf32> to vector<1x64x384xf32>
    %squeeze3A_121 = vector.shape_cast %slice3A_120 : vector<1x64x384xf32> to vector<64x384xf32>
    %mul3A_122 = arith.mulf %squeeze3A_121, %squeeze3A_121 : vector<64x384xf32>
    %add3A_123 = arith.addf %add3A_119, %mul3A_122 : vector<64x384xf32>
    %slice3A_124 = vector.extract_strided_slice %get3A_5 {offsets = [14, 0, 0], sizes = [1, 64, 384], strides = [1, 1, 1]} : vector<16x64x384xf32> to vector<1x64x384xf32>
    %squeeze3A_125 = vector.shape_cast %slice3A_124 : vector<1x64x384xf32> to vector<64x384xf32>
    %mul3A_126 = arith.mulf %squeeze3A_125, %squeeze3A_125 : vector<64x384xf32>
    %add3A_127 = arith.addf %add3A_123, %mul3A_126 : vector<64x384xf32>
    %slice3A_128 = vector.extract_strided_slice %get3A_5 {offsets = [15, 0, 0], sizes = [1, 64, 384], strides = [1, 1, 1]} : vector<16x64x384xf32> to vector<1x64x384xf32>
    %squeeze3A_129 = vector.shape_cast %slice3A_128 : vector<1x64x384xf32> to vector<64x384xf32>
    %mul3A_130 = arith.mulf %squeeze3A_129, %squeeze3A_129 : vector<64x384xf32>
    %add3A_131 = arith.addf %add3A_127, %mul3A_130 : vector<64x384xf32>
    %mul3A_132 = arith.mulf %get3A_1, %get3A_1 : vector<64x16xf32>
    %reduce_sum3A = arith.constant dense<0.000000e+00> : vector<64xf32>
    %reduce_sum3A_133 = vector.multi_reduction <add>, %mul3A_132, %reduce_sum3A [1] : vector<64x16xf32> to vector<64xf32>
    %broadcast_in_dim3A_134 = vector.shape_cast %reduce_sum3A_133 : vector<64xf32> to vector<64x1xf32>
    %add3A_135 = vector.broadcast %broadcast_in_dim3A_134 : vector<64x1xf32> to vector<64x384xf32>
    %add3A_136 = arith.addf %add3A_135, %add3A_131 : vector<64x384xf32>
    %mul3A_137 = arith.constant 2.000000e+00 : f32
    %mul3A_138 = vector.broadcast %mul3A_137 : f32 to vector<64x384xf32>
    %mul3A_139 = arith.mulf %mul3A_138, %concatenate3A : vector<64x384xf32>
    %sub3A = arith.subf %add3A_136, %mul3A_139 : vector<64x384xf32>
    %get3A_140 = arith.constant 0 : index
    %get3A_141 = arith.constant 0 : index
    %get3A_142 = vector.load %arg3[%get3A_140, %get3A_141] : memref<64x384xi32, #tpu.memory_space<vmem>>, vector<64x384xi32>
    %convert_element_type3A = arith.sitofp %get3A_142 : vector<64x384xi32> to vector<64x384xf32>
    %reduce_min3A = arith.constant dense<0x7F800000> : vector<64xf32>
    %reduce_min3A_143 = vector.multi_reduction <minimumf>, %sub3A, %reduce_min3A [1] : vector<64x384xf32> to vector<64xf32>
    %broadcast_in_dim3A_144 = vector.shape_cast %reduce_min3A_143 : vector<64xf32> to vector<64x1xf32>
    %eq3A = vector.broadcast %broadcast_in_dim3A_144 : vector<64x1xf32> to vector<64x384xf32>
    %eq3A_145 = arith.cmpf oeq, %sub3A, %eq3A : vector<64x384xf32>
    %jit3A = arith.constant 1.000000e+09 : f32
    %broadcast_in_dim3A_146 = vector.broadcast %jit3A : f32 to vector<64x384xf32>
    %select_n3A = arith.select %eq3A_145, %convert_element_type3A, %broadcast_in_dim3A_146 : vector<64x384xi1>, vector<64x384xf32>
    %reduce_min3A_147 = arith.constant dense<0x7F800000> : vector<64xf32>
    %reduce_min3A_148 = vector.multi_reduction <minimumf>, %select_n3A, %reduce_min3A_147 [1] : vector<64x384xf32> to vector<64xf32>
    %broadcast_in_dim3A_149 = vector.shape_cast %reduce_min3A_148 : vector<64xf32> to vector<64x1xf32>
    %eq3A_150 = vector.broadcast %broadcast_in_dim3A_149 : vector<64x1xf32> to vector<64x384xf32>
    %eq3A_151 = arith.cmpf oeq, %select_n3A, %eq3A_150 : vector<64x384xf32>
    %jit3A_152 = arith.constant 3.000000e+30 : f32
    %broadcast_in_dim3A_153 = vector.broadcast %jit3A_152 : f32 to vector<64x384xf32>
    %select_n3A_154 = arith.select %eq3A_151, %broadcast_in_dim3A_153, %sub3A : vector<64x384xi1>, vector<64x384xf32>
    %reduce_min3A_155 = arith.constant dense<0x7F800000> : vector<64xf32>
    %reduce_min3A_156 = vector.multi_reduction <minimumf>, %select_n3A_154, %reduce_min3A_155 [1] : vector<64x384xf32> to vector<64xf32>
    %broadcast_in_dim3A_157 = vector.shape_cast %reduce_min3A_156 : vector<64xf32> to vector<64x1xf32>
    %eq3A_158 = vector.broadcast %broadcast_in_dim3A_157 : vector<64x1xf32> to vector<64x384xf32>
    %eq3A_159 = arith.cmpf oeq, %select_n3A_154, %eq3A_158 : vector<64x384xf32>
    %jit3A_160 = arith.constant 1.000000e+09 : f32
    %broadcast_in_dim3A_161 = vector.broadcast %jit3A_160 : f32 to vector<64x384xf32>
    %select_n3A_162 = arith.select %eq3A_159, %convert_element_type3A, %broadcast_in_dim3A_161 : vector<64x384xi1>, vector<64x384xf32>
    %reduce_min3A_163 = arith.constant dense<0x7F800000> : vector<64xf32>
    %reduce_min3A_164 = vector.multi_reduction <minimumf>, %select_n3A_162, %reduce_min3A_163 [1] : vector<64x384xf32> to vector<64xf32>
    %broadcast_in_dim3A_165 = vector.shape_cast %reduce_min3A_164 : vector<64xf32> to vector<64x1xf32>
    %eq3A_166 = vector.broadcast %broadcast_in_dim3A_165 : vector<64x1xf32> to vector<64x384xf32>
    %eq3A_167 = arith.cmpf oeq, %select_n3A_162, %eq3A_166 : vector<64x384xf32>
    %jit3A_168 = arith.constant 3.000000e+30 : f32
    %broadcast_in_dim3A_169 = vector.broadcast %jit3A_168 : f32 to vector<64x384xf32>
    %select_n3A_170 = arith.select %eq3A_167, %broadcast_in_dim3A_169, %select_n3A_154 : vector<64x384xi1>, vector<64x384xf32>
    %reduce_min3A_171 = arith.constant dense<0x7F800000> : vector<64xf32>
    %reduce_min3A_172 = vector.multi_reduction <minimumf>, %select_n3A_170, %reduce_min3A_171 [1] : vector<64x384xf32> to vector<64xf32>
    %broadcast_in_dim3A_173 = vector.shape_cast %reduce_min3A_172 : vector<64xf32> to vector<64x1xf32>
    %eq3A_174 = vector.broadcast %broadcast_in_dim3A_173 : vector<64x1xf32> to vector<64x384xf32>
    %eq3A_175 = arith.cmpf oeq, %select_n3A_170, %eq3A_174 : vector<64x384xf32>
    %jit3A_176 = arith.constant 1.000000e+09 : f32
    %broadcast_in_dim3A_177 = vector.broadcast %jit3A_176 : f32 to vector<64x384xf32>
    %select_n3A_178 = arith.select %eq3A_175, %convert_element_type3A, %broadcast_in_dim3A_177 : vector<64x384xi1>, vector<64x384xf32>
    %reduce_min3A_179 = arith.constant dense<0x7F800000> : vector<64xf32>
    %reduce_min3A_180 = vector.multi_reduction <minimumf>, %select_n3A_178, %reduce_min3A_179 [1] : vector<64x384xf32> to vector<64xf32>
    %broadcast_in_dim3A_181 = vector.shape_cast %reduce_min3A_180 : vector<64xf32> to vector<64x1xf32>
    %eq3A_182 = vector.broadcast %broadcast_in_dim3A_181 : vector<64x1xf32> to vector<64x384xf32>
    %eq3A_183 = arith.cmpf oeq, %select_n3A_178, %eq3A_182 : vector<64x384xf32>
    %jit3A_184 = arith.constant 3.000000e+30 : f32
    %broadcast_in_dim3A_185 = vector.broadcast %jit3A_184 : f32 to vector<64x384xf32>
    %select_n3A_186 = arith.select %eq3A_183, %broadcast_in_dim3A_185, %select_n3A_170 : vector<64x384xi1>, vector<64x384xf32>
    %reduce_min3A_187 = arith.constant dense<0x7F800000> : vector<64xf32>
    %reduce_min3A_188 = vector.multi_reduction <minimumf>, %select_n3A_186, %reduce_min3A_187 [1] : vector<64x384xf32> to vector<64xf32>
    %broadcast_in_dim3A_189 = vector.shape_cast %reduce_min3A_188 : vector<64xf32> to vector<64x1xf32>
    %eq3A_190 = vector.broadcast %broadcast_in_dim3A_189 : vector<64x1xf32> to vector<64x384xf32>
    %eq3A_191 = arith.cmpf oeq, %select_n3A_186, %eq3A_190 : vector<64x384xf32>
    %jit3A_192 = arith.constant 1.000000e+09 : f32
    %broadcast_in_dim3A_193 = vector.broadcast %jit3A_192 : f32 to vector<64x384xf32>
    %select_n3A_194 = arith.select %eq3A_191, %convert_element_type3A, %broadcast_in_dim3A_193 : vector<64x384xi1>, vector<64x384xf32>
    %reduce_min3A_195 = arith.constant dense<0x7F800000> : vector<64xf32>
    %reduce_min3A_196 = vector.multi_reduction <minimumf>, %select_n3A_194, %reduce_min3A_195 [1] : vector<64x384xf32> to vector<64xf32>
    %broadcast_in_dim3A_197 = vector.shape_cast %reduce_min3A_196 : vector<64xf32> to vector<64x1xf32>
    %eq3A_198 = vector.broadcast %broadcast_in_dim3A_197 : vector<64x1xf32> to vector<64x384xf32>
    %eq3A_199 = arith.cmpf oeq, %select_n3A_194, %eq3A_198 : vector<64x384xf32>
    %jit3A_200 = arith.constant 3.000000e+30 : f32
    %broadcast_in_dim3A_201 = vector.broadcast %jit3A_200 : f32 to vector<64x384xf32>
    %select_n3A_202 = arith.select %eq3A_199, %broadcast_in_dim3A_201, %select_n3A_186 : vector<64x384xi1>, vector<64x384xf32>
    %reduce_min3A_203 = arith.constant dense<0x7F800000> : vector<64xf32>
    %reduce_min3A_204 = vector.multi_reduction <minimumf>, %select_n3A_202, %reduce_min3A_203 [1] : vector<64x384xf32> to vector<64xf32>
    %broadcast_in_dim3A_205 = vector.shape_cast %reduce_min3A_204 : vector<64xf32> to vector<64x1xf32>
    %eq3A_206 = vector.broadcast %broadcast_in_dim3A_205 : vector<64x1xf32> to vector<64x384xf32>
    %eq3A_207 = arith.cmpf oeq, %select_n3A_202, %eq3A_206 : vector<64x384xf32>
    %jit3A_208 = arith.constant 1.000000e+09 : f32
    %broadcast_in_dim3A_209 = vector.broadcast %jit3A_208 : f32 to vector<64x384xf32>
    %select_n3A_210 = arith.select %eq3A_207, %convert_element_type3A, %broadcast_in_dim3A_209 : vector<64x384xi1>, vector<64x384xf32>
    %reduce_min3A_211 = arith.constant dense<0x7F800000> : vector<64xf32>
    %reduce_min3A_212 = vector.multi_reduction <minimumf>, %select_n3A_210, %reduce_min3A_211 [1] : vector<64x384xf32> to vector<64xf32>
    %broadcast_in_dim3A_213 = vector.shape_cast %reduce_min3A_212 : vector<64xf32> to vector<64x1xf32>
    %eq3A_214 = vector.broadcast %broadcast_in_dim3A_213 : vector<64x1xf32> to vector<64x384xf32>
    %eq3A_215 = arith.cmpf oeq, %select_n3A_210, %eq3A_214 : vector<64x384xf32>
    %jit3A_216 = arith.constant 3.000000e+30 : f32
    %broadcast_in_dim3A_217 = vector.broadcast %jit3A_216 : f32 to vector<64x384xf32>
    %select_n3A_218 = arith.select %eq3A_215, %broadcast_in_dim3A_217, %select_n3A_202 : vector<64x384xi1>, vector<64x384xf32>
    %reduce_min3A_219 = arith.constant dense<0x7F800000> : vector<64xf32>
    %reduce_min3A_220 = vector.multi_reduction <minimumf>, %select_n3A_218, %reduce_min3A_219 [1] : vector<64x384xf32> to vector<64xf32>
    %broadcast_in_dim3A_221 = vector.shape_cast %reduce_min3A_220 : vector<64xf32> to vector<64x1xf32>
    %eq3A_222 = vector.broadcast %broadcast_in_dim3A_221 : vector<64x1xf32> to vector<64x384xf32>
    %eq3A_223 = arith.cmpf oeq, %select_n3A_218, %eq3A_222 : vector<64x384xf32>
    %jit3A_224 = arith.constant 1.000000e+09 : f32
    %broadcast_in_dim3A_225 = vector.broadcast %jit3A_224 : f32 to vector<64x384xf32>
    %select_n3A_226 = arith.select %eq3A_223, %convert_element_type3A, %broadcast_in_dim3A_225 : vector<64x384xi1>, vector<64x384xf32>
    %reduce_min3A_227 = arith.constant dense<0x7F800000> : vector<64xf32>
    %reduce_min3A_228 = vector.multi_reduction <minimumf>, %select_n3A_226, %reduce_min3A_227 [1] : vector<64x384xf32> to vector<64xf32>
    %broadcast_in_dim3A_229 = vector.shape_cast %reduce_min3A_228 : vector<64xf32> to vector<64x1xf32>
    %eq3A_230 = vector.broadcast %broadcast_in_dim3A_229 : vector<64x1xf32> to vector<64x384xf32>
    %eq3A_231 = arith.cmpf oeq, %select_n3A_226, %eq3A_230 : vector<64x384xf32>
    %jit3A_232 = arith.constant 3.000000e+30 : f32
    %broadcast_in_dim3A_233 = vector.broadcast %jit3A_232 : f32 to vector<64x384xf32>
    %select_n3A_234 = arith.select %eq3A_231, %broadcast_in_dim3A_233, %select_n3A_218 : vector<64x384xi1>, vector<64x384xf32>
    %reduce_min3A_235 = arith.constant dense<0x7F800000> : vector<64xf32>
    %reduce_min3A_236 = vector.multi_reduction <minimumf>, %select_n3A_234, %reduce_min3A_235 [1] : vector<64x384xf32> to vector<64xf32>
    %broadcast_in_dim3A_237 = vector.shape_cast %reduce_min3A_236 : vector<64xf32> to vector<64x1xf32>
    %eq3A_238 = vector.broadcast %broadcast_in_dim3A_237 : vector<64x1xf32> to vector<64x384xf32>
    %eq3A_239 = arith.cmpf oeq, %select_n3A_234, %eq3A_238 : vector<64x384xf32>
    %jit3A_240 = arith.constant 1.000000e+09 : f32
    %broadcast_in_dim3A_241 = vector.broadcast %jit3A_240 : f32 to vector<64x384xf32>
    %select_n3A_242 = arith.select %eq3A_239, %convert_element_type3A, %broadcast_in_dim3A_241 : vector<64x384xi1>, vector<64x384xf32>
    %reduce_min3A_243 = arith.constant dense<0x7F800000> : vector<64xf32>
    %reduce_min3A_244 = vector.multi_reduction <minimumf>, %select_n3A_242, %reduce_min3A_243 [1] : vector<64x384xf32> to vector<64xf32>
    %broadcast_in_dim3A_245 = vector.shape_cast %reduce_min3A_244 : vector<64xf32> to vector<64x1xf32>
    %eq3A_246 = vector.broadcast %broadcast_in_dim3A_245 : vector<64x1xf32> to vector<64x384xf32>
    %eq3A_247 = arith.cmpf oeq, %select_n3A_242, %eq3A_246 : vector<64x384xf32>
    %jit3A_248 = arith.constant 3.000000e+30 : f32
    %broadcast_in_dim3A_249 = vector.broadcast %jit3A_248 : f32 to vector<64x384xf32>
    %select_n3A_250 = arith.select %eq3A_247, %broadcast_in_dim3A_249, %select_n3A_234 : vector<64x384xi1>, vector<64x384xf32>
    %reduce_min3A_251 = arith.constant dense<0x7F800000> : vector<64xf32>
    %reduce_min3A_252 = vector.multi_reduction <minimumf>, %select_n3A_250, %reduce_min3A_251 [1] : vector<64x384xf32> to vector<64xf32>
    %broadcast_in_dim3A_253 = vector.shape_cast %reduce_min3A_252 : vector<64xf32> to vector<64x1xf32>
    %eq3A_254 = vector.broadcast %broadcast_in_dim3A_253 : vector<64x1xf32> to vector<64x384xf32>
    %eq3A_255 = arith.cmpf oeq, %select_n3A_250, %eq3A_254 : vector<64x384xf32>
    %jit3A_256 = arith.constant 1.000000e+09 : f32
    %broadcast_in_dim3A_257 = vector.broadcast %jit3A_256 : f32 to vector<64x384xf32>
    %select_n3A_258 = arith.select %eq3A_255, %convert_element_type3A, %broadcast_in_dim3A_257 : vector<64x384xi1>, vector<64x384xf32>
    %reduce_min3A_259 = arith.constant dense<0x7F800000> : vector<64xf32>
    %reduce_min3A_260 = vector.multi_reduction <minimumf>, %select_n3A_258, %reduce_min3A_259 [1] : vector<64x384xf32> to vector<64xf32>
    %broadcast_in_dim3A_261 = vector.shape_cast %reduce_min3A_260 : vector<64xf32> to vector<64x1xf32>
    %eq3A_262 = vector.broadcast %broadcast_in_dim3A_261 : vector<64x1xf32> to vector<64x384xf32>
    %eq3A_263 = arith.cmpf oeq, %select_n3A_258, %eq3A_262 : vector<64x384xf32>
    %jit3A_264 = arith.constant 3.000000e+30 : f32
    %broadcast_in_dim3A_265 = vector.broadcast %jit3A_264 : f32 to vector<64x384xf32>
    %select_n3A_266 = arith.select %eq3A_263, %broadcast_in_dim3A_265, %select_n3A_250 : vector<64x384xi1>, vector<64x384xf32>
    %reduce_min3A_267 = arith.constant dense<0x7F800000> : vector<64xf32>
    %reduce_min3A_268 = vector.multi_reduction <minimumf>, %select_n3A_266, %reduce_min3A_267 [1] : vector<64x384xf32> to vector<64xf32>
    %broadcast_in_dim3A_269 = vector.shape_cast %reduce_min3A_268 : vector<64xf32> to vector<64x1xf32>
    %eq3A_270 = vector.broadcast %broadcast_in_dim3A_269 : vector<64x1xf32> to vector<64x384xf32>
    %eq3A_271 = arith.cmpf oeq, %select_n3A_266, %eq3A_270 : vector<64x384xf32>
    %jit3A_272 = arith.constant 1.000000e+09 : f32
    %broadcast_in_dim3A_273 = vector.broadcast %jit3A_272 : f32 to vector<64x384xf32>
    %select_n3A_274 = arith.select %eq3A_271, %convert_element_type3A, %broadcast_in_dim3A_273 : vector<64x384xi1>, vector<64x384xf32>
    %reduce_min3A_275 = arith.constant dense<0x7F800000> : vector<64xf32>
    %reduce_min3A_276 = vector.multi_reduction <minimumf>, %select_n3A_274, %reduce_min3A_275 [1] : vector<64x384xf32> to vector<64xf32>
    %broadcast_in_dim3A_277 = vector.shape_cast %reduce_min3A_276 : vector<64xf32> to vector<64x1xf32>
    %broadcast_in_dim3A_278 = arith.constant 3.000000e+30 : f32
    %broadcast_in_dim3A_279 = vector.broadcast %broadcast_in_dim3A_278 : f32 to vector<64x7xf32>
    %broadcast_in_dim3A_280 = arith.constant 1.000000e+09 : f32
    %broadcast_in_dim3A_281 = vector.broadcast %broadcast_in_dim3A_280 : f32 to vector<64x7xf32>
    %concatenate3A_282 = tpu.concatenate %broadcast_in_dim3A_144, %broadcast_in_dim3A_157, %broadcast_in_dim3A_173, %broadcast_in_dim3A_189, %broadcast_in_dim3A_205, %broadcast_in_dim3A_221, %broadcast_in_dim3A_237, %broadcast_in_dim3A_253, %broadcast_in_dim3A_269, %broadcast_in_dim3A_279 in 1 : vector<64x1xf32>, vector<64x1xf32>, vector<64x1xf32>, vector<64x1xf32>, vector<64x1xf32>, vector<64x1xf32>, vector<64x1xf32>, vector<64x1xf32>, vector<64x1xf32>, vector<64x7xf32> -> vector<64x16xf32>
    %max3A = arith.constant 9.99999996E-13 : f32
    %max3A_283 = vector.broadcast %max3A : f32 to vector<64x16xf32>
    %max3A_284 = arith.maximumf %concatenate3A_282, %max3A_283 : vector<64x16xf32>
    %sqrt3A = math.sqrt %max3A_284 : vector<64x16xf32>
    %swap3A = arith.constant 0 : index
    %swap3A_285 = arith.constant 0 : index
    %swap3A_286 = vector.load %arg4[%swap3A, %swap3A_285] : memref<64x16xf32, #tpu.memory_space<vmem>>, vector<64x16xf32>
    tpu.vector_store %arg4[%swap3A, %swap3A_285], %sqrt3A {strides = array<i32>} : memref<64x16xf32, #tpu.memory_space<vmem>>, vector<64x16xf32>,
    %concatenate3A_287 = tpu.concatenate %broadcast_in_dim3A_149, %broadcast_in_dim3A_165, %broadcast_in_dim3A_181, %broadcast_in_dim3A_197, %broadcast_in_dim3A_213, %broadcast_in_dim3A_229, %broadcast_in_dim3A_245, %broadcast_in_dim3A_261, %broadcast_in_dim3A_277, %broadcast_in_dim3A_281 in 1 : vector<64x1xf32>, vector<64x1xf32>, vector<64x1xf32>, vector<64x1xf32>, vector<64x1xf32>, vector<64x1xf32>, vector<64x1xf32>, vector<64x1xf32>, vector<64x1xf32>, vector<64x7xf32> -> vector<64x16xf32>
    %swap3A_288 = arith.constant 0 : index
    %swap3A_289 = arith.constant 0 : index
    %swap3A_290 = vector.load %arg5[%swap3A_288, %swap3A_289] : memref<64x16xf32, #tpu.memory_space<vmem>>, vector<64x16xf32>
    tpu.vector_store %arg5[%swap3A_288, %swap3A_289], %concatenate3A_287 {strides = array<i32>} : memref<64x16xf32, #tpu.memory_space<vmem>>, vector<64x16xf32>,
    return
  }
  func.func @transform_0(%arg0: i32) -> (i32, i32) {
    %c0_i32 = arith.constant 0 : i32
    %c0_i32_0 = arith.constant 0 : i32
    return %arg0, %c0_i32 : i32, i32
  }
  func.func @transform_1(%arg0: i32) -> (i32, i32, i32) {
    %c0_i32 = arith.constant 0 : i32
    %c0_i32_0 = arith.constant 0 : i32
    %c0_i32_1 = arith.constant 0 : i32
    return %c0_i32, %arg0, %c0_i32_0 : i32, i32, i32
  }
  func.func @transform_2(%arg0: i32) -> (i32, i32) {
    %c0_i32 = arith.constant 0 : i32
    %c0_i32_0 = arith.constant 0 : i32
    return %arg0, %c0_i32 : i32, i32
  }
  func.func @transform_3(%arg0: i32) -> (i32, i32) {
    %c0_i32 = arith.constant 0 : i32
    %c0_i32_0 = arith.constant 0 : i32
    return %arg0, %c0_i32 : i32, i32
  }
  func.func @transform_4(%arg0: i32) -> (i32, i32) {
    %c0_i32 = arith.constant 0 : i32
    %c0_i32_0 = arith.constant 0 : i32
    return %arg0, %c0_i32 : i32, i32
  }
}

</mosaic_0001>

<sc_bundles>
// kernel: kernel.5.cloned.1.call-start
scs
__scs_entry_jumppad:
0x0: {  	(pc) =	sbr.rel $0x88, $3  }
0x1: {  	(tag) =	ssettag $0x0;
	lr =	simm.s32 $0x1  }
0x2: {  	[smem:$0x3F9F] =	sst lr;
	_ =	strace $0xD0000000  }
0x3: {  	_ = 	snop  }
0x4: {  	_ = 	snop  }
0x5: {  	_ = 	snop  }
0x6: {  	_ = 	snop  }
0x7: {  	_ = 	snop  }
__scs_overlays_trampoline_lowered:
0x8: {  	[smem:$0x3FAE] =	sst s0  }
0x9: {  	[smem:$0x3FAF] =	sst s1  }
0xa: {  	[smem:$0x3FB0] =	sst s2  }
0xb: {  	[smem:$0x3FB1] =	sst s3  }
0xc: {  	[smem:$0x3FB2] =	sst s4  }
0xd: {  	[smem:$0x3FB3] =	sst s5  }
0xe: {  	[smem:$0x3FB4] =	sst s6  }
0xf: {  	[smem:$0x3FB5] =	sst s7  }
0x10: {  	[smem:$0x3FB6] =	sst s8  }
0x11: {  	[smem:$0x3FB7] =	sst s9;
	s0 =	simm.s32 @!p0 $0x0  }
0x12: {  	s1 =	sld [smem:$0x3F9D];
	s0 =	simm.s32 @p0 $0x1  }
0x13: {  	[smem:$0x3FB8] =	sst s0;
	s0 =	simm.s32 @!p1 $0x0  }
0x14: {  	s2 =	sld [smem:$0x3F9C];
	s0 =	simm.s32 @p1 $0x1  }
0x15: {  	[smem:$0x3FB9] =	sst s0;
	s0 =	simm.s32 @!p2 $0x0  }
0x16: {  	s3 =	sld [smem:$0x3FDB];
	s0 =	simm.s32 @p2 $0x1  }
0x17: {  	s4 =	simm.s32 $0x1BF5;
	[smem:$0x3FBB] =	sst s0  }
0x18: {  	s0 =	sld [smem:$0x3F9E];
	_ =	swait.ge [sflag:s4], $0x0  }
0x19: {  	s7 =	sld [smem:$0x3F9F]  }
0x1a: {  	s8 =	sadd.s32 $0xFFFFE003, lr  }
0x1b: {  	s9 =	sadd.s32 $0xFFFFFEF7, lr;
	s5 =	simm.s32 $0xFFFFFFFF;
	p2 =	slt.u32 s8, $0xFFFFF086  }
0x1c: {  	p1 =	slt.u32 s9, $0xF7A;
	s5 =	simm.s32 @!p2 $0x0  }
0x1d: {  	s5 =	simm.s32 @p1 $0x1;
	p0 =	seq.s32 s7, s2  }
0x1e: {  	s7 =	smul.u32 @!p0 $0xF7A, s2;
	p2 =	seq.s32 @!p0 s5, $0x0  }
0x1f: {  	s9 =	smul.u32 $0xF7A, s1;
	s8 =	simm.s32 @!p0 $0x1BF5;
	p2 =	por !p2, p0  }
0x20: {  	[sflag:s8] =	ssyncset.s32 @!p0 $0xFFFFF086;
	s6 =	sadd.s32 @!p0 s3, s7;
	s7 =	simm.s32 @!p0 $0x108  }
0x21: {  	s3 =	sadd.s32 s3, s9;
	s6 =	sadd.s32 @!p0 $0x88, s6;
	s7 =	simm.s32 @p2 $0x1082  }
0x22: {  	[simem:s7], [sflag:s8] =	dma.local @!p0 [hbm:s6], $0xF7A  }
0x23: {  	s9 =	sor.u32 $0xD0000000, s2;
	s6 =	simm.s32 $0x108;
	_ =	swait.ge @!p0 [sflag:s8], $0x0  }
0x24: {  	s3 =	sadd.s32 $0x88, s3;
	s6 =	simm.s32 @!p1 $0x1082;
	[sflag:s4] =	ssyncset.s32 $0xFFFFF086  }
0x25: {  	[simem:s6], [sflag:s4] =	dma.local [hbm:s3], $0xF7A  }
0x26: {  	[smem:$0x3F9F] =	sst s1;
	(tag) =	ssettag s2;
	_ =	strace s9  }
0x27: {  	s1 =	sld [smem:$0x3FAF]  }
0x28: {  	s2 =	sld [smem:$0x3FB0]  }
0x29: {  	s4 =	sld [smem:$0x3FB2]  }
0x2a: {  	p0 =	seq.s32 s5, $0x0;
	s5 =	sld [smem:$0x3FB3]  }
0x2b: {  	s6 =	sld [smem:$0x3FB4]  }
0x2c: {  	s7 =	sld [smem:$0x3FB5]  }
0x2d: {  	s3 =	simm.s32 $0x108;
	s8 =	sld [smem:$0x3FB6]  }
0x2e: {  	s3 =	simm.s32 @!p0 $0x1082;
	s9 =	sld [smem:$0x3FB7]  }
0x2f: {  	lr =	sadd.s32 s0, s3;
	s0 =	sld [smem:$0x3FAE]  }
0x30: {  	s3 =	sld [smem:$0x3FB1]  }
0x31: {  	[smem:$0x3FBA] =	sst s10  }
0x32: {  	s10 =	sld [smem:$0x3FB8];
	_ =	sdelay $0x3  }
0x33: {  	p0 =	seq.s32 s10, $0x1;
	s10 =	sld [smem:$0x3FBA];
	_ =	sdelay $0x3  }
0x34: {  	[smem:$0x3FBA] =	sst s10  }
0x35: {  	s10 =	sld [smem:$0x3FB9];
	_ =	sdelay $0x3  }
0x36: {  	p1 =	seq.s32 s10, $0x1;
	s10 =	sld [smem:$0x3FBA];
	_ =	sdelay $0x3  }
0x37: {  	[smem:$0x3FBA] =	sst s10  }
0x38: {  	s10 =	sld [smem:$0x3FBB]  }
0x39: {  	_ = 	snop;
	(pc) =	sbr.ind lr, $3  }
0x3a: {  	_ = 	snop  }
0x3b: {  	_ = 	snop  }
0x3c: {  	p2 =	seq.s32 s10, $0x1;
	s10 =	sld [smem:$0x3FBA]  }
0x3d: {  	_ =	shalt  }
0x3e: {  	_ =	shalt  }
0x3f: {  	_ =	shalt  }
0x40: {  	_ =	shalt  }
0x41: {  	_ =	shalt  }
0x42: {  	_ =	shalt  }
0x43: {  	_ =	shalt  }
0x44: {  	_ =	shalt  }
0x45: {  	_ =	shalt  }
0x46: {  	_ =	shalt  }
0x47: {  	_ =	shalt  }
0x48: {  	_ =	shalt  }
0x49: {  	_ =	shalt  }
0x4a: {  	_ =	shalt  }
0x4b: {  	_ =	shalt  }
0x4c: {  	_ =	shalt  }
0x4d: {  	_ =	shalt  }
0x4e: {  	_ =	shalt  }
0x4f: {  	_ =	shalt  }
0x50: {  	_ =	shalt  }
0x51: {  	_ =	shalt  }
0x52: {  	_ =	shalt  }
0x53: {  	_ =	shalt  }
0x54: {  	_ =	shalt  }
0x55: {  	_ =	shalt  }
0x56: {  	_ =	shalt  }
0x57: {  	_ =	shalt  }
0x58: {  	_ =	shalt  }
0x59: {  	_ =	shalt  }
0x5a: {  	_ =	shalt  }
0x5b: {  	_ =	shalt  }
0x5c: {  	_ =	shalt  }
0x5d: {  	_ =	shalt  }
0x5e: {  	_ =	shalt  }
0x5f: {  	_ =	shalt  }
0x60: {  	_ =	shalt  }
0x61: {  	_ =	shalt  }
0x62: {  	_ =	shalt  }
0x63: {  	_ =	shalt  }
0x64: {  	_ =	shalt  }
0x65: {  	_ =	shalt  }
0x66: {  	_ =	shalt  }
0x67: {  	_ =	shalt  }
0x68: {  	_ =	shalt  }
0x69: {  	_ =	shalt  }
0x6a: {  	_ =	shalt  }
0x6b: {  	_ =	shalt  }
0x6c: {  	_ =	shalt  }
0x6d: {  	_ =	shalt  }
0x6e: {  	_ =	shalt  }
0x6f: {  	_ =	shalt  }
0x70: {  	_ =	shalt  }
0x71: {  	_ =	shalt  }
0x72: {  	_ =	shalt  }
0x73: {  	_ =	shalt  }
0x74: {  	_ =	shalt  }
0x75: {  	_ =	shalt  }
0x76: {  	_ =	shalt  }
0x77: {  	_ =	shalt  }
0x78: {  	_ =	shalt  }
0x79: {  	_ =	shalt  }
0x7a: {  	_ =	shalt  }
0x7b: {  	_ =	shalt  }
0x7c: {  	_ =	shalt  }
0x7d: {  	_ =	shalt  }
0x7e: {  	_ =	shalt  }
0x7f: {  	_ =	shalt  }
0x80: {  	_ =	shalt  }
0x81: {  	_ =	shalt  }
0x82: {  	_ =	shalt  }
0x83: {  	_ =	shalt  }
0x84: {  	_ =	shalt  }
0x85: {  	_ =	shalt  }
0x86: {  	_ =	shalt  }
0x87: {  	_ =	shalt  }
.Lfunc_end0:
.L_simem_size_0:
called_computation_lowered:
.L_overlay_start_0:
0x88: {  	s2 =	sld [smem:$0x3FD9]  }
0x89: {  	s3 =	sld [smem:$0x3FFE];
	_ =	sdelay $0x1  }
0x8a: {  	s1 =	srdreg.scid  }
0x8b: {  	s0 =	sand.u32 $0x1, s1  }
0x8c: {  	s16 =	sshll.u32 s0, $0xA;
	s2 =	sadd.s32 s3, s2  }
0x8d: {  	s2 =	sadd.s32 s2, s16  }
0x8e: {  	[smem:$0x3FC6] =	sst s2  }
0x8f: {  	_ = 	snop  }
0x90: {  	(tm) =	ssettm $0x1  }
0x91: {  	s17 =	sld [smem:$0x3FFB];
	_ =	sdelay $0x3  }
0x92: {  	_ =	strace s17  }
0x93: {  	s2 =	sld [smem:$0x3FFC];
	_ =	sdelay $0x3  }
0x94: {  	_ =	strace s2  }
0x95: {  	s2 =	sld [smem:$0x3FFD];
	_ =	sdelay $0x3  }
0x96: {  	_ =	strace s2  }
0x97: {  	_ =	strace $0x8FFFFFFF  }
0x98: {  	s18 =	sld [smem:$0x3FDB];
	_ =	sdelay $0x1  }
0x99: {  	s19 =	simm.s32 $_scs_section_size  }
0x9a: {  	s4 =	simm.s32 $_size__tile_overlayer_lowered;
	s5 =	simm.s32 $_tile_overlayer_lowered  }
0x9b: {  	s22 =	simm.s32 $0x1BFF;
	s21 =	sshll.u32 s5, $0x1;
	s2 =	sadd.s32 s19, s18  }
0x9c: {  	s6 =	simm.s32 $0x0;
	s20 =	sshll.u32 s4, $0x1;
	s4 =	sadd.s32 s21, s2  }
0x9d: {  	[timem:s6], [sflag:s22] =	dma.local [hbm:s4], s20  }
0x9e: {  	_ =	swait.ge [sflag:s22], s20  }
0x9f: {  	s3 =	ssub.s32 $0x0, s20;
	[sflag:s22] =	ssyncset.done $0x0  }
0xa0: {  	[sflag:s22] =	ssyncadd.s32 s3;
	_ =	sdelay $0x1  }
0xa1: {  	s23 =	simm.s32 $0x1B8B  }
0xa2: {  	_ =	swait.ge [sflag:s23], $0x1  }
0xa3: {  	[sflag:s23] =	ssyncset.done $0x0  }
0xa4: {  	s25 =	simm.s32 $0x1B8E;
	s24 =	sld [smem:$0x3FFE];
	[sflag:s23] =	ssyncadd.s32 $0xFFFFFFFF  }
0xa5: {  	s26 =	simm.s32 $execute0_lowered;
	[smem:$0x3FD2] =	sst s25  }
0xa6: {  	s4 =	sshll.u32 s26, $0x1;
	_ =	strace $0x80000046;
	[dreg:$0x1] =	wrdreg $0xFFFFFFFF  }
0xa7: {  	s28 =	simm.s32 $_size_execute0_lowered;
	s2 =	sadd.s32 s2, s4;
	[dreg:$0x0] =	wrdreg $0x0  }
0xa8: {  	s4 =	sshll.u32 s28, $0x1;
	[dreg:$0x2] =	wrdreg s2  }
0xa9: {  	[dreg:$0x3] =	wrdreg s4  }
0xaa: {  	[dreg:$0x4] =	wrdreg $0xC0  }
0xab: {  	_ =	task [dreg:s6], $0x5FFFF  }
0xac: {  	[dreg:$0x1] =	wrdreg $0xFFFFFFFF  }
0xad: {  	[dreg:$0x0] =	wrdreg $0x60  }
0xae: {  	[dreg:$0x2] =	wrdreg s24  }
0xaf: {  	[dreg:$0x3] =	wrdreg $0x9  }
0xb0: {  	_ =	task.clear_ibuf [dreg:s6], $0x4FFFF;
	_ =	strace $0x90000046  }
0xb1: {  	s29 =	simm.s32 $0x9;
	_ =	strace $0x80000048  }
0xb2: {  	_ =	swait.ge [sflag:s29], $0x1  }
0xb3: {  	[sflag:s29] =	ssyncadd.s32 $0xFFFFFFFF  }
0xb4: {  	_ =	strace $0x90000048  }
0xb5: {  	_ =	sfence  }
0xb6: {  	s30 =	sld [smem:$0x0];
	_ =	sdelay $0x2  }
0xb7: {  	s31 =	sshll.u32 s1, $0xD;
	s1 =	sshrl.u32 s1, $0x2  }
0xb8: {  	s3 =	sand.u32 $0x4000, s31;
	s1 =	sadd.s32 s1, s30  }
0xb9: {  	s0 =	sor.u32 s3, s0;
	s1 =	sshll.u32 s1, $0x11  }
0xba: {  	s0 =	sor.u32 s1, s0  }
0xbb: {  	s0 =	sadd.s32 $0x8F2B, s0  }
0xbc: {  	[sflag:s0] =	ssyncadd.remote.s32 $0x1  }
0xbd: {  	_ =	sfence.sel $0xFFFF  }
0xbe: {  	[dreg:$0x0] =	wrdreg $0xFFFFFFFF;
	(pc) =	sbr.abs _section_cstart, $3  }
0xbf: {  	[dreg:$0x1] =	wrdreg $0xFFFFFFFF  }
0xc0: {  	_ =	task.clear_ibuf [dreg:s6], $0x2FFFF;
	_ =	strace $0x9FFFFFFF  }
0xc1: {  	(tm) =	ssettm $0x7FFFFFFF  }
tec
execute0_lowered:
.L_overlay_start_1:
0x0: {  	(tag) =	ssettag $0x1  }
0x1: {  	s1 =	srdreg.scid;
	s0 =	stileid.u32  }
0x2: {  	s24 =	sand.u32 $0x1, s1;
	s30 =	sshll.u32 s0, $0x1  }
0x3: {  	s19 =	sor.u32 s24, s30  }
0x4: {  	s14 =	rddreg [dreg:$0x0];
	s3 =	smul.u32 $0xC0, s19  }
0x5: {  	s2 =	simm.s32 $0x0;
	s1 =	rddreg [dreg:$0x1]  }
0x6: {  	[smem:$0x7FF] =	sst s2;
	s3 =	sadd.s32 s3, s14  }
0x7: {  	_ =	strace $0x80000047;
	s4 =	sadd.s32 $0x198200, s3;
	s3 =	simm.s32 $0x2  }
0x8: {  	[tilespmem:s2], [sflag:$0x2] =	stream.linear.gather [hbm4b:s4+s2], $0x600, $0x38;
	[tilespmem:$0x10600] =	vst v63  }
0x9: {  	_ =	swait.ge [sflag:s3], $0x600  }
0xa: {  	s6 =	simm.s32 $0x80;
	[sflag:s3] =	ssyncset.done $0x0  }
0xb: {  	s7 =	simm.s32 $0x600;
	s5 =	sadd.s32 $0x1800, s14;
	[sflag:s3] =	ssyncadd.s32 $0xFFFFFA00  }
0xc: {  	[tilespmem:s7], [sflag:$0x1] =	stream.indirect.gather [hbm4b:s5+s6], $0x80, s2, s6, $0xb8;
	[tilespmem:$0x10600] =	vst v63  }
0xd: {  	s8 =	simm.s32 $0x4600  }
0xe: {  	[tilespmem:s8], [sflag:$0x1] =	stream.indirect.gather [hbm4b:s5+s6], $0x80, s6, s6, $0xb8;
	[tilespmem:$0x10600] =	vst v63  }
0xf: {  	s9 =	simm.s32 $0x100;
	s10 =	simm.s32 $0x8600  }
0x10: {  	[tilespmem:s10], [sflag:$0x1] =	stream.indirect.gather [hbm4b:s5+s6], $0x80, s9, s6, $0xb8;
	[tilespmem:$0x10600] =	vst v63  }
0x11: {  	s11 =	simm.s32 $0x180;
	s12 =	simm.s32 $0xC600;
	s13 =	simm.s32 $0x1  }
0x12: {  	[tilespmem:s12], [sflag:$0x1] =	stream.indirect.gather [hbm4b:s5+s6], $0x80, s11, s6, $0xb8;
	[tilespmem:$0x10600] =	vst v63  }
0x13: {  	_ =	swait.ge [sflag:s13], $0x4000  }
0x14: {  	[sflag:s13] =	ssyncset.done $0x0  }
0x15: {  	[sflag:s13] =	ssyncadd.s32 $0xFFFFC000  }
0x16: {  	_ =	swait.ge [sflag:s13], $0x4000  }
0x17: {  	[sflag:s13] =	ssyncset.done $0x0  }
0x18: {  	[sflag:s13] =	ssyncadd.s32 $0xFFFFC000  }
0x19: {  	_ =	swait.ge [sflag:s13], $0x4000  }
0x1a: {  	[sflag:s13] =	ssyncset.done $0x0  }
0x1b: {  	[sflag:s13] =	ssyncadd.s32 $0xFFFFC000  }
0x1c: {  	s15 =	smul.u32 $0x6000, s19;
	_ =	swait.ge [sflag:s13], $0x4000  }
0x1d: {  	s20 =	sadd.s32 $0x33800, s14;
	[sflag:s13] =	ssyncset.done $0x0  }
0x1e: {  	s14 =	sadd.s32 s20, s15;
	[sflag:s13] =	ssyncadd.s32 $0xFFFFC000  }
0x1f: {  	[hbm4b:s14+s2] =	stream.linear.scatter [tilespmem:s7], [sflag:$0x2], $0x10000, $0x38;
	[tilespmem:$0x10600] =	vst v63  }
0x20: {  	_ =	swait.ge [sflag:s3], $0x10000  }
0x21: {  	[sflag:s3] =	ssyncset.done $0x0  }
0x22: {  	s15 =	simm.s32 $0x200;
	[sflag:s3] =	ssyncadd.s32 $0xFFFF0000  }
0x23: {  	[tilespmem:s7], [sflag:$0x1] =	stream.indirect.gather [hbm4b:s5+s6], $0x80, s15, s6, $0xb8;
	[tilespmem:$0x10600] =	vst v63  }
0x24: {  	s16 =	simm.s32 $0x280  }
0x25: {  	[tilespmem:s8], [sflag:$0x1] =	stream.indirect.gather [hbm4b:s5+s6], $0x80, s16, s6, $0xb8;
	[tilespmem:$0x10600] =	vst v63  }
0x26: {  	s17 =	simm.s32 $0x300  }
0x27: {  	[tilespmem:s10], [sflag:$0x1] =	stream.indirect.gather [hbm4b:s5+s6], $0x80, s17, s6, $0xb8;
	[tilespmem:$0x10600] =	vst v63  }
0x28: {  	s18 =	simm.s32 $0x380  }
0x29: {  	[tilespmem:s12], [sflag:$0x1] =	stream.indirect.gather [hbm4b:s5+s6], $0x80, s18, s6, $0xb8;
	[tilespmem:$0x10600] =	vst v63  }
0x2a: {  	_ =	swait.ge [sflag:s13], $0x4000  }
0x2b: {  	[sflag:s13] =	ssyncset.done $0x0  }
0x2c: {  	[sflag:s13] =	ssyncadd.s32 $0xFFFFC000  }
0x2d: {  	_ =	swait.ge [sflag:s13], $0x4000  }
0x2e: {  	[sflag:s13] =	ssyncset.done $0x0  }
0x2f: {  	[sflag:s13] =	ssyncadd.s32 $0xFFFFC000  }
0x30: {  	_ =	swait.ge [sflag:s13], $0x4000  }
0x31: {  	s19 =	smul.u32 $0x30000, s19;
	[sflag:s13] =	ssyncset.done $0x0  }
0x32: {  	[sflag:s13] =	ssyncadd.s32 $0xFFFFC000  }
0x33: {  	s19 =	sshrl.u32 s19, $0x3;
	_ =	swait.ge [sflag:s13], $0x4000  }
0x34: {  	s25 =	sadd.s32 s20, s19;
	[sflag:s13] =	ssyncset.done $0x0  }
0x35: {  	s19 =	sadd.s32 $0x2000, s25;
	[sflag:s13] =	ssyncadd.s32 $0xFFFFC000  }
0x36: {  	[hbm4b:s19+s2] =	stream.linear.scatter [tilespmem:s7], [sflag:$0x2], $0x10000, $0x38;
	[tilespmem:$0x10600] =	vst v63  }
0x37: {  	_ =	swait.ge [sflag:s3], $0x10000  }
0x38: {  	[sflag:s3] =	ssyncset.done $0x0  }
0x39: {  	s20 =	simm.s32 $0x400;
	[sflag:s3] =	ssyncadd.s32 $0xFFFF0000  }
0x3a: {  	[tilespmem:s7], [sflag:$0x1] =	stream.indirect.gather [hbm4b:s5+s6], $0x80, s20, s6, $0xb8;
	[tilespmem:$0x10600] =	vst v63  }
0x3b: {  	s21 =	simm.s32 $0x480  }
0x3c: {  	[tilespmem:s8], [sflag:$0x1] =	stream.indirect.gather [hbm4b:s5+s6], $0x80, s21, s6, $0xb8;
	[tilespmem:$0x10600] =	vst v63  }
0x3d: {  	s22 =	simm.s32 $0x500  }
0x3e: {  	[tilespmem:s10], [sflag:$0x1] =	stream.indirect.gather [hbm4b:s5+s6], $0x80, s22, s6, $0xb8;
	[tilespmem:$0x10600] =	vst v63  }
0x3f: {  	s23 =	simm.s32 $0x580  }
0x40: {  	[tilespmem:s12], [sflag:$0x1] =	stream.indirect.gather [hbm4b:s5+s6], $0x80, s23, s6, $0xb8;
	[tilespmem:$0x10600] =	vst v63  }
0x41: {  	_ =	swait.ge [sflag:s13], $0x4000  }
0x42: {  	[sflag:s13] =	ssyncset.done $0x0  }
0x43: {  	[sflag:s13] =	ssyncadd.s32 $0xFFFFC000  }
0x44: {  	_ =	swait.ge [sflag:s13], $0x4000  }
0x45: {  	[sflag:s13] =	ssyncset.done $0x0  }
0x46: {  	s24 =	ssub.s32 $0x2, s24;
	[sflag:s13] =	ssyncadd.s32 $0xFFFFC000  }
0x47: {  	s26 =	sshrl.u32 s24, $0x1;
	_ =	swait.ge [sflag:s13], $0x4000  }
0x48: {  	s26 =	ssub.s32 s24, s26;
	[sflag:s13] =	ssyncset.done $0x0  }
0x49: {  	s31 =	smax.u32 s26, $0x1;
	[sflag:s13] =	ssyncadd.s32 $0xFFFFC000  }
0x4a: {  	p0 =	sne.s32 s31, $0x1;
	_ =	swait.ge [sflag:s13], $0x4000  }
.Ltmp0:
0x4b: {  	[sflag:s13] =	ssyncset.done $0x0;
	(pc) =	sbr.rel @!p0 .LBB2_2-.Ltmp0, $4  }
0x4c: {  	s24 =	sadd.s32 $0x4000, s25;
	[sflag:s13] =	ssyncadd.s32 $0xFFFFC000  }
0x4d: {  	[hbm4b:s24+s2] =	stream.linear.scatter [tilespmem:s7], [sflag:$0x2], $0x10000, $0x38;
	[tilespmem:$0x10600] =	vst v63  }
0x4e: {  	_ =	swait.ge [sflag:s3], $0x10000  }
0x4f: {  	s25 =	sadd.s32 $0xFFFFFFFF, s31;
	[sflag:s3] =	ssyncset.done $0x0  }
.LBB2_1:
0x50: {  	p0 =	sne.s32 s25, $0x1;
	s25 =	sadd.s32 $0xFFFFFFFF, s25;
	[sflag:s3] =	ssyncadd.s32 $0xFFFF0000  }
0x51: {  	[tilespmem:s2], [sflag:$0x2] =	stream.linear.gather [hbm4b:s4+s2], $0x600, $0x38;
	[tilespmem:$0x10600] =	vst v63  }
0x52: {  	_ =	swait.ge [sflag:s3], $0x600  }
0x53: {  	[sflag:s3] =	ssyncset.done $0x0  }
0x54: {  	[sflag:s3] =	ssyncadd.s32 $0xFFFFFA00  }
0x55: {  	[tilespmem:s7], [sflag:$0x1] =	stream.indirect.gather [hbm4b:s5+s6], $0x80, s2, s6, $0xb8;
	[tilespmem:$0x10600] =	vst v63  }
0x56: {  	_ = 	snop  }
0x57: {  	[tilespmem:s8], [sflag:$0x1] =	stream.indirect.gather [hbm4b:s5+s6], $0x80, s6, s6, $0xb8;
	[tilespmem:$0x10600] =	vst v63  }
0x58: {  	_ = 	snop  }
0x59: {  	[tilespmem:s10], [sflag:$0x1] =	stream.indirect.gather [hbm4b:s5+s6], $0x80, s9, s6, $0xb8;
	[tilespmem:$0x10600] =	vst v63  }
0x5a: {  	_ = 	snop  }
0x5b: {  	[tilespmem:s12], [sflag:$0x1] =	stream.indirect.gather [hbm4b:s5+s6], $0x80, s11, s6, $0xb8;
	[tilespmem:$0x10600] =	vst v63  }
0x5c: {  	_ =	swait.ge [sflag:s13], $0x4000  }
0x5d: {  	[sflag:s13] =	ssyncset.done $0x0  }
0x5e: {  	[sflag:s13] =	ssyncadd.s32 $0xFFFFC000  }
0x5f: {  	_ =	swait.ge [sflag:s13], $0x4000  }
0x60: {  	[sflag:s13] =	ssyncset.done $0x0  }
0x61: {  	[sflag:s13] =	ssyncadd.s32 $0xFFFFC000  }
0x62: {  	_ =	swait.ge [sflag:s13], $0x4000  }
0x63: {  	[sflag:s13] =	ssyncset.done $0x0  }
0x64: {  	[sflag:s13] =	ssyncadd.s32 $0xFFFFC000  }
0x65: {  	_ =	swait.ge [sflag:s13], $0x4000  }
0x66: {  	[sflag:s13] =	ssyncset.done $0x0  }
0x67: {  	[sflag:s13] =	ssyncadd.s32 $0xFFFFC000  }
0x68: {  	[hbm4b:s14+s2] =	stream.linear.scatter [tilespmem:s7], [sflag:$0x2], $0x10000, $0x38;
	[tilespmem:$0x10600] =	vst v63  }
0x69: {  	_ =	swait.ge [sflag:s3], $0x10000  }
0x6a: {  	[sflag:s3] =	ssyncset.done $0x0  }
0x6b: {  	[sflag:s3] =	ssyncadd.s32 $0xFFFF0000  }
0x6c: {  	[tilespmem:s7], [sflag:$0x1] =	stream.indirect.gather [hbm4b:s5+s6], $0x80, s15, s6, $0xb8;
	[tilespmem:$0x10600] =	vst v63  }
0x6d: {  	_ = 	snop  }
0x6e: {  	[tilespmem:s8], [sflag:$0x1] =	stream.indirect.gather [hbm4b:s5+s6], $0x80, s16, s6, $0xb8;
	[tilespmem:$0x10600] =	vst v63  }
0x6f: {  	_ = 	snop  }
0x70: {  	[tilespmem:s10], [sflag:$0x1] =	stream.indirect.gather [hbm4b:s5+s6], $0x80, s17, s6, $0xb8;
	[tilespmem:$0x10600] =	vst v63  }
0x71: {  	_ = 	snop  }
0x72: {  	[tilespmem:s12], [sflag:$0x1] =	stream.indirect.gather [hbm4b:s5+s6], $0x80, s18, s6, $0xb8;
	[tilespmem:$0x10600] =	vst v63  }
0x73: {  	_ =	swait.ge [sflag:s13], $0x4000  }
0x74: {  	[sflag:s13] =	ssyncset.done $0x0  }
0x75: {  	[sflag:s13] =	ssyncadd.s32 $0xFFFFC000  }
0x76: {  	_ =	swait.ge [sflag:s13], $0x4000  }
0x77: {  	[sflag:s13] =	ssyncset.done $0x0  }
0x78: {  	[sflag:s13] =	ssyncadd.s32 $0xFFFFC000  }
0x79: {  	_ =	swait.ge [sflag:s13], $0x4000  }
0x7a: {  	[sflag:s13] =	ssyncset.done $0x0  }
0x7b: {  	[sflag:s13] =	ssyncadd.s32 $0xFFFFC000  }
0x7c: {  	_ =	swait.ge [sflag:s13], $0x4000  }
0x7d: {  	[sflag:s13] =	ssyncset.done $0x0  }
0x7e: {  	[sflag:s13] =	ssyncadd.s32 $0xFFFFC000  }
0x7f: {  	[hbm4b:s19+s2] =	stream.linear.scatter [tilespmem:s7], [sflag:$0x2], $0x10000, $0x38;
	[tilespmem:$0x10600] =	vst v63  }
0x80: {  	_ =	swait.ge [sflag:s3], $0x10000  }
0x81: {  	[sflag:s3] =	ssyncset.done $0x0  }
0x82: {  	[sflag:s3] =	ssyncadd.s32 $0xFFFF0000  }
0x83: {  	[tilespmem:s7], [sflag:$0x1] =	stream.indirect.gather [hbm4b:s5+s6], $0x80, s20, s6, $0xb8;
	[tilespmem:$0x10600] =	vst v63  }
0x84: {  	_ = 	snop  }
0x85: {  	[tilespmem:s8], [sflag:$0x1] =	stream.indirect.gather [hbm4b:s5+s6], $0x80, s21, s6, $0xb8;
	[tilespmem:$0x10600] =	vst v63  }
0x86: {  	_ = 	snop  }
0x87: {  	[tilespmem:s10], [sflag:$0x1] =	stream.indirect.gather [hbm4b:s5+s6], $0x80, s22, s6, $0xb8;
	[tilespmem:$0x10600] =	vst v63  }
0x88: {  	_ = 	snop  }
0x89: {  	[tilespmem:s12], [sflag:$0x1] =	stream.indirect.gather [hbm4b:s5+s6], $0x80, s23, s6, $0xb8;
	[tilespmem:$0x10600] =	vst v63  }
0x8a: {  	_ =	swait.ge [sflag:s13], $0x4000  }
0x8b: {  	[sflag:s13] =	ssyncset.done $0x0  }
0x8c: {  	[sflag:s13] =	ssyncadd.s32 $0xFFFFC000  }
0x8d: {  	_ =	swait.ge [sflag:s13], $0x4000  }
0x8e: {  	[sflag:s13] =	ssyncset.done $0x0  }
0x8f: {  	[sflag:s13] =	ssyncadd.s32 $0xFFFFC000  }
0x90: {  	_ =	swait.ge [sflag:s13], $0x4000  }
0x91: {  	[sflag:s13] =	ssyncset.done $0x0  }
0x92: {  	[sflag:s13] =	ssyncadd.s32 $0xFFFFC000  }
0x93: {  	_ =	swait.ge [sflag:s13], $0x4000  }
.Ltmp1:
0x94: {  	[sflag:s13] =	ssyncset.done $0x0;
	(pc) =	sbr.rel @p0 .LBB2_1-.Ltmp1, $4  }
0x95: {  	[sflag:s13] =	ssyncadd.s32 $0xFFFFC000  }
0x96: {  	[hbm4b:s24+s2] =	stream.linear.scatter [tilespmem:s7], [sflag:$0x2], $0x10000, $0x38;
	[tilespmem:$0x10600] =	vst v63  }
0x97: {  	_ =	swait.ge [sflag:s3], $0x10000  }
0x98: {  	[sflag:s3] =	ssyncset.done $0x0  }
.LBB2_2:
0x99: {  	[sflag:s3] =	ssyncadd.s32 $0xFFFF0000  }
0x9a: {  	_ =	sfence.sel $0x180000  }
0x9b: {  	[bflag:$0x0] =	sbarrier.arrive $0xFFFF  }
0x9c: {  	p0 =	sne.s32 s0, $0x0;
	_ =	strace $0x90000047  }
0x9d: {  	s0 =	sadd.s32 @!p0 $0x100000, s1;
	[bflag:$0x2] =	sbarrier.arrive $0xFFFF  }
0x9e: {  	[sflag:s0] =	ssyncadd.tile.s32 @!p0 $0x1;
	_ =	shalt  }
.Lfunc_end2:
_tile_overlayer_lowered:
.L_overlay_start_2:
0x9f: {  	(tag) =	ssettag $0x2  }
0xa0: {  	s0 =	rddreg [dreg:$0x0];
	s2 =	stileid.u32  }
0xa1: {  	s1 =	rddreg [dreg:$0x1];
	p0 =	sne.s32 s2, $0x0  }
0xa2: {  	s3 =	rddreg [dreg:$0x2];
	[bflag:$0x3] =	sbarrier.arrive $0xFFFF;
	s2 =	simm.s32 @!p0 $0x1C02  }
0xa3: {  	[timem:s3], [sflag:s2] =	dma.local @!p0 [hbm:s0], s1  }
0xa4: {  	s0 =	simm.s32 @!p0 $0x2  }
0xa5: {  	_ =	swait.ge @!p0 [sflag:s0], s1  }
0xa6: {  	s1 =	ssub.s32 @!p0 $0x0, s1;
	[sflag:s0] =	ssyncset.done @!p0 $0x0  }
0xa7: {  	[sflag:s0] =	ssyncadd.s32 @!p0 s1  }
0xa8: {  	[bflag:$0x3] =	sbarrier.arrive $0xFFFF  }
0xa9: {  	_ =	shalt  }

</sc_bundles>
